<compile_context>
chip_gen: v7x
topology: tpu7x:2x2x1
jax: 0.10.2.dev20260603
libtpu: 0.0.44.dev20260713+nightly
codegen_flags: <defaults>
</compile_context>

<pallas_src>
import functools

import jax
import jax.numpy as jnp
from jax import lax
from jax.experimental import pallas as pl
from jax.experimental.pallas import tpu as pltpu
from jax.experimental.pallas import tpu_sc as plsc

B = 4096
M = 16
D = 64
N = M * M
NC = 2
NS = 16
NW = NC * NS
ROWS = B // NW
HROWS = ROWS // 2
BLK = 2048


def _nt_dot(a, b):
    return lax.dot_general(
        a, b, (((1,), (1,)), ((), ())),
        preferred_element_type=jnp.float32,
        precision=lax.Precision.HIGHEST)


def _scores_body(x_ref, w_ref, s_ref):
    w3 = w_ref[...]
    wt = jnp.concatenate([w3[:, k, :] for k in range(M)], axis=0)
    ones = jnp.ones((8, D), jnp.float32)
    w2 = _nt_dot(ones, wt * wt)[0:1, :]
    xp = x_ref[...]
    for p in range(2):
        xh = xp[:, p * D:(p + 1) * D]
        s = w2 - 2.0 * _nt_dot(xh, wt)
        s_ref[p, :, 0, :, :] = s[:, :128].reshape(BLK // 16, 8, 128)
        s_ref[p, :, 1, :, :] = s[:, 128:].reshape(BLK // 16, 8, 128)


def _tc_scores(x, weights):
    return pl.pallas_call(
        _scores_body,
        grid=(B // BLK,),
        in_specs=[
            pl.BlockSpec((BLK // 2, 128), lambda i: (i, 0)),
            pl.BlockSpec((M, M, D), lambda i: (0, 0, 0)),
        ],
        out_specs=pl.BlockSpec(
            (2, BLK // 16, 2, 8, 128), lambda i: (0, i, 0, 0, 0)),
        out_shape=jax.ShapeDtypeStruct((2, B // 16, 2, 8, 128), jnp.float32),
    )(x.reshape(B // 2, 128), weights)


def _argmin_body(s_hbm, o_hbm, s_v, o_v, sems):
    wid = lax.axis_index("s") * NC + lax.axis_index("c")
    base = wid * ROWS
    gbase = base // 16
    copies = [
        pltpu.async_copy(
            s_hbm.at[p, pl.ds(gbase, ROWS // 16)],
            s_v.at[p],
            sems.at[p])
        for p in range(2)
    ]

    def make_row(p):
        def row(r):
            g = r >> 3
            r8 = r & 7
            best = s_v[p, g, 0, r8, pl.ds(0, M)]
            bidx = jnp.zeros((M,), jnp.int32)
            for k in range(1, M):
                v = s_v[p, g, k >> 3, r8, pl.ds((k & 7) * M, M)]
                m = v < best
                best = jnp.where(m, v, best)
                bidx = jnp.where(m, jnp.int32(k), bidx)
            o_v[pl.ds((2 * r + p) * M, M)] = bidx
        return row

    for p in range(2):
        copies[p].wait()
        plsc.parallel_loop(0, HROWS, unroll=2)(make_row(p))
    pltpu.sync_copy(o_v, o_hbm.at[pl.ds(base * M, ROWS * M)])


@functools.cache
def _sc_argmin():
    return pl.kernel(
        _argmin_body,
        out_type=jax.ShapeDtypeStruct((B * M,), jnp.int32),
        mesh=plsc.VectorSubcoreMesh(core_axis_name="c", subcore_axis_name="s"),
        scratch_types=[
            pltpu.VMEM((2, ROWS // 16, 2, 8, 128), jnp.float32),
            pltpu.VMEM((ROWS * M,), jnp.int32),
            pltpu.SemaphoreType.DMA((2,)),
        ],
    )


def kernel(x, weights):
    scores = _tc_scores(x, weights)
    return _sc_argmin()(scores).reshape(B, M)

# --- scband reference (transcript-rebuilt; emitter-appended) ---
"""Pipeline reference for scband-som-11940009083349 (READ-ONLY COPY).

The authoritative reference and input builder live on the scoring server;
editing this copy changes nothing except your own understanding.
"""

import jax, jax.numpy as jnp
import numpy as np


def setup_inputs(seed: int = 0) -> dict:
    key = jax.random.key(seed)
    k1, k2 = jax.random.split(key)
    x = jax.random.normal(k1, (4096, 64), dtype=jnp.float32)
    weights = jax.random.normal(k2, (16, 16, 64), dtype=jnp.float32)
    return {"x": x, "weights": weights}


def reference(x, weights):
    # x: [B, d] -> [B, 1, 1, d] broadcast against weights [m0, m1, d]
    diff = x[:, None, None, :] - weights[None, :, :, :]
    distances = jnp.sum(diff ** 2, axis=3)  # [B, m0, m1]
    # Faithful to the torch module: argmin over dim=2 only
    bmu_indices = jnp.argmin(distances, axis=2)  # [B, m0], int
    return bmu_indices

if __name__ == "__main__":
    import jax
    _d = setup_inputs()
    print(jax.jit(kernel)(*tuple(_d.values())))

</pallas_src>

<mosaic_0001>
#map = affine_map<(d0, d1) -> (0, 0, 0, 0, 0)>
#map1 = affine_map<(d0, d1) -> (0)>
module attributes {stable_mosaic.version = 14 : i64} {
  func.func @_argmin_body(%arg0: i32, %arg1: i32, %arg2: memref<2x256x2x8x128xf32, #tpu.memory_space<hbm>>, %arg3: memref<65536xi32, #tpu.memory_space<hbm>>, %arg4: memref<2x8x2x8x128xf32, #tpu.memory_space<vmem>>, %arg5: memref<2048xi32, #tpu.memory_space<vmem>>, %arg6: memref<2x!tpu.dma_semaphore, #tpu.memory_space<semaphore_mem>>) attributes {dimension_semantics = [#tpu.dimension_semantics<core_parallel>, #tpu.dimension_semantics<subcore_parallel>], iteration_bounds = array<i64: 2, 16>, scalar_prefetch = 0 : i64, scratch_operands = 3 : i64, tpu.core_type = #tpu.core_type<sc_vector_subcore>, window_params = [{transform_indices = #map}, {transform_indices = #map1}]} {
    %mul3A = arith.constant 2 : i32
    %mul3A_0 = arith.muli %arg1, %mul3A : i32
    %add3A = arith.addi %mul3A_0, %arg0 : i32
    %mul3A_1 = arith.constant 128 : i32
    %mul3A_2 = arith.muli %add3A, %mul3A_1 : i32
    %jit3A = arith.constant 16 : i32
    %div3A = arith.divsi %mul3A_2, %jit3A : i32
    %sign3A = arith.constant 0 : i32
    %sign3A_3 = arith.cmpi sgt, %mul3A_2, %sign3A : i32
    %sign3A_4 = arith.extui %sign3A_3 : i1 to i32
    %sign3A_5 = arith.constant 0 : i32
    %sign3A_6 = arith.cmpi slt, %mul3A_2, %sign3A_5 : i32
    %sign3A_7 = arith.extui %sign3A_6 : i1 to i32
    %sign3A_8 = arith.subi %sign3A_4, %sign3A_7 : i32
    %sign3A_9 = arith.constant 0 : i32
    %sign3A_10 = arith.cmpi sgt, %jit3A, %sign3A_9 : i32
    %sign3A_11 = arith.extui %sign3A_10 : i1 to i32
    %sign3A_12 = arith.constant 0 : i32
    %sign3A_13 = arith.cmpi slt, %jit3A, %sign3A_12 : i32
    %sign3A_14 = arith.extui %sign3A_13 : i1 to i32
    %sign3A_15 = arith.subi %sign3A_11, %sign3A_14 : i32
    %ne3A = arith.cmpi ne, %sign3A_8, %sign3A_15 : i32
    %rem3A = arith.remsi %mul3A_2, %jit3A : i32
    %ne3A_16 = arith.constant 0 : i32
    %ne3A_17 = arith.cmpi ne, %rem3A, %ne3A_16 : i32
    %and3A = arith.andi %ne3A, %ne3A_17 : i1
    %sub3A = arith.constant 1 : i32
    %sub3A_18 = arith.subi %div3A, %sub3A : i32
    %select_n3A = arith.select %and3A, %sub3A_18, %div3A : i32
    %dma_start3A = arith.constant 0 : i32
    %dma_start3A_19 = arith.constant 0 : i32
    %dma_start3A_20 = arith.constant 0 : i32
    %dma_start3A_21 = arith.constant 0 : i32
    %dma_start3A_22 = arith.constant 0 : i32
    %dma_start3A_23 = arith.constant 0 : i32
    %dma_start3A_24 = arith.constant 0 : i32
    %dma_start3A_25 = tpu.memref_slice %arg4[%dma_start3A_19, %dma_start3A_21, %dma_start3A_22, %dma_start3A_23, %dma_start3A_24] : memref<2x8x2x8x128xf32, #tpu.memory_space<vmem>> -> memref<1x8x2x8x128xf32, #tpu.memory_space<vmem>>
    %dma_start3A_26 = tpu.memref_squeeze %dma_start3A_25 : memref<1x8x2x8x128xf32, #tpu.memory_space<vmem>> -> memref<8x2x8x128xf32, #tpu.memory_space<vmem>>
    %dma_start3A_27 = arith.constant 0 : i32
    %dma_start3A_28 = arith.constant 0 : i32
    %dma_start3A_29 = arith.constant 0 : i32
    %dma_start3A_30 = tpu.memref_slice %arg2[%dma_start3A, %select_n3A, %dma_start3A_27, %dma_start3A_28, %dma_start3A_29] : memref<2x256x2x8x128xf32, #tpu.memory_space<hbm>> -> memref<1x8x2x8x128xf32, #tpu.memory_space<hbm>>
    %dma_start3A_31 = tpu.memref_squeeze %dma_start3A_30 : memref<1x8x2x8x128xf32, #tpu.memory_space<hbm>> -> memref<8x2x8x128xf32, #tpu.memory_space<hbm>>
    %dma_start3A_32 = tpu.memref_slice %arg6[%dma_start3A_20] : memref<2x!tpu.dma_semaphore, #tpu.memory_space<semaphore_mem>> -> memref<1x!tpu.dma_semaphore, #tpu.memory_space<semaphore_mem>>
    %dma_start3A_33 = tpu.memref_squeeze %dma_start3A_32 : memref<1x!tpu.dma_semaphore, #tpu.memory_space<semaphore_mem>> -> memref<!tpu.dma_semaphore, #tpu.memory_space<semaphore_mem>>
    %dma_start3A_34 = arith.constant 0 : i32
    %dma_start3A_35 = arith.constant 0 : i32
    %dma_start3A_36 = arith.constant 0 : i32
    %dma_start3A_37 = arith.constant 0 : i32
    %dma_start3A_38 = tpu.memref_slice %arg4[%dma_start3A_19, %dma_start3A_34, %dma_start3A_35, %dma_start3A_36, %dma_start3A_37] : memref<2x8x2x8x128xf32, #tpu.memory_space<vmem>> -> memref<1x8x2x8x128xf32, #tpu.memory_space<vmem>>
    %dma_start3A_39 = tpu.memref_squeeze %dma_start3A_38 : memref<1x8x2x8x128xf32, #tpu.memory_space<vmem>> -> memref<8x2x8x128xf32, #tpu.memory_space<vmem>>
    %dma_start3A_40 = arith.constant 0 : i32
    %dma_start3A_41 = arith.constant 0 : i32
    %dma_start3A_42 = arith.constant 0 : i32
    %dma_start3A_43 = tpu.memref_slice %arg2[%dma_start3A, %select_n3A, %dma_start3A_40, %dma_start3A_41, %dma_start3A_42] : memref<2x256x2x8x128xf32, #tpu.memory_space<hbm>> -> memref<1x8x2x8x128xf32, #tpu.memory_space<hbm>>
    %dma_start3A_44 = tpu.memref_squeeze %dma_start3A_43 : memref<1x8x2x8x128xf32, #tpu.memory_space<hbm>> -> memref<8x2x8x128xf32, #tpu.memory_space<hbm>>
    tpu.enqueue_dma source(%dma_start3A_44 : memref<8x2x8x128xf32, #tpu.memory_space<hbm>>) target(%dma_start3A_39 : memref<8x2x8x128xf32, #tpu.memory_space<vmem>>) target_semaphore(%dma_start3A_33 : memref<!tpu.dma_semaphore, #tpu.memory_space<semaphore_mem>>)
    %dma_start3A_45 = arith.constant 1 : i32
    %dma_start3A_46 = arith.constant 1 : i32
    %dma_start3A_47 = arith.constant 1 : i32
    %dma_start3A_48 = arith.constant 0 : i32
    %dma_start3A_49 = arith.constant 0 : i32
    %dma_start3A_50 = arith.constant 0 : i32
    %dma_start3A_51 = arith.constant 0 : i32
    %dma_start3A_52 = tpu.memref_slice %arg4[%dma_start3A_46, %dma_start3A_48, %dma_start3A_49, %dma_start3A_50, %dma_start3A_51] : memref<2x8x2x8x128xf32, #tpu.memory_space<vmem>> -> memref<1x8x2x8x128xf32, #tpu.memory_space<vmem>>
    %dma_start3A_53 = tpu.memref_squeeze %dma_start3A_52 : memref<1x8x2x8x128xf32, #tpu.memory_space<vmem>> -> memref<8x2x8x128xf32, #tpu.memory_space<vmem>>
    %dma_start3A_54 = arith.constant 0 : i32
    %dma_start3A_55 = arith.constant 0 : i32
    %dma_start3A_56 = arith.constant 0 : i32
    %dma_start3A_57 = tpu.memref_slice %arg2[%dma_start3A_45, %select_n3A, %dma_start3A_54, %dma_start3A_55, %dma_start3A_56] : memref<2x256x2x8x128xf32, #tpu.memory_space<hbm>> -> memref<1x8x2x8x128xf32, #tpu.memory_space<hbm>>
    %dma_start3A_58 = tpu.memref_squeeze %dma_start3A_57 : memref<1x8x2x8x128xf32, #tpu.memory_space<hbm>> -> memref<8x2x8x128xf32, #tpu.memory_space<hbm>>
    %dma_start3A_59 = tpu.memref_slice %arg6[%dma_start3A_47] : memref<2x!tpu.dma_semaphore, #tpu.memory_space<semaphore_mem>> -> memref<1x!tpu.dma_semaphore, #tpu.memory_space<semaphore_mem>>
    %dma_start3A_60 = tpu.memref_squeeze %dma_start3A_59 : memref<1x!tpu.dma_semaphore, #tpu.memory_space<semaphore_mem>> -> memref<!tpu.dma_semaphore, #tpu.memory_space<semaphore_mem>>
    %dma_start3A_61 = arith.constant 0 : i32
    %dma_start3A_62 = arith.constant 0 : i32
    %dma_start3A_63 = arith.constant 0 : i32
    %dma_start3A_64 = arith.constant 0 : i32
    %dma_start3A_65 = tpu.memref_slice %arg4[%dma_start3A_46, %dma_start3A_61, %dma_start3A_62, %dma_start3A_63, %dma_start3A_64] : memref<2x8x2x8x128xf32, #tpu.memory_space<vmem>> -> memref<1x8x2x8x128xf32, #tpu.memory_space<vmem>>
    %dma_start3A_66 = tpu.memref_squeeze %dma_start3A_65 : memref<1x8x2x8x128xf32, #tpu.memory_space<vmem>> -> memref<8x2x8x128xf32, #tpu.memory_space<vmem>>
    %dma_start3A_67 = arith.constant 0 : i32
    %dma_start3A_68 = arith.constant 0 : i32
    %dma_start3A_69 = arith.constant 0 : i32
    %dma_start3A_70 = tpu.memref_slice %arg2[%dma_start3A_45, %select_n3A, %dma_start3A_67, %dma_start3A_68, %dma_start3A_69] : memref<2x256x2x8x128xf32, #tpu.memory_space<hbm>> -> memref<1x8x2x8x128xf32, #tpu.memory_space<hbm>>
    %dma_start3A_71 = tpu.memref_squeeze %dma_start3A_70 : memref<1x8x2x8x128xf32, #tpu.memory_space<hbm>> -> memref<8x2x8x128xf32, #tpu.memory_space<hbm>>
    tpu.enqueue_dma source(%dma_start3A_71 : memref<8x2x8x128xf32, #tpu.memory_space<hbm>>) target(%dma_start3A_66 : memref<8x2x8x128xf32, #tpu.memory_space<vmem>>) target_semaphore(%dma_start3A_60 : memref<!tpu.dma_semaphore, #tpu.memory_space<semaphore_mem>>)
    %dma_wait3A = arith.constant 0 : i32
    %dma_wait3A_72 = arith.constant 0 : i32
    %dma_wait3A_73 = arith.constant 0 : i32
    %dma_wait3A_74 = arith.constant 0 : i32
    %dma_wait3A_75 = arith.constant 0 : i32
    %dma_wait3A_76 = arith.constant 0 : i32
    %dma_wait3A_77 = arith.constant 0 : i32
    %dma_wait3A_78 = tpu.memref_slice %arg4[%dma_wait3A_72, %dma_wait3A_74, %dma_wait3A_75, %dma_wait3A_76, %dma_wait3A_77] : memref<2x8x2x8x128xf32, #tpu.memory_space<vmem>> -> memref<1x8x2x8x128xf32, #tpu.memory_space<vmem>>
    %dma_wait3A_79 = tpu.memref_squeeze %dma_wait3A_78 : memref<1x8x2x8x128xf32, #tpu.memory_space<vmem>> -> memref<8x2x8x128xf32, #tpu.memory_space<vmem>>
    %dma_wait3A_80 = arith.constant 0 : i32
    %dma_wait3A_81 = arith.constant 0 : i32
    %dma_wait3A_82 = arith.constant 0 : i32
    %dma_wait3A_83 = tpu.memref_slice %arg2[%dma_wait3A, %select_n3A, %dma_wait3A_80, %dma_wait3A_81, %dma_wait3A_82] : memref<2x256x2x8x128xf32, #tpu.memory_space<hbm>> -> memref<1x8x2x8x128xf32, #tpu.memory_space<hbm>>
    %dma_wait3A_84 = tpu.memref_squeeze %dma_wait3A_83 : memref<1x8x2x8x128xf32, #tpu.memory_space<hbm>> -> memref<8x2x8x128xf32, #tpu.memory_space<hbm>>
    %dma_wait3A_85 = tpu.memref_slice %arg6[%dma_wait3A_73] : memref<2x!tpu.dma_semaphore, #tpu.memory_space<semaphore_mem>> -> memref<1x!tpu.dma_semaphore, #tpu.memory_space<semaphore_mem>>
    %dma_wait3A_86 = tpu.memref_squeeze %dma_wait3A_85 : memref<1x!tpu.dma_semaphore, #tpu.memory_space<semaphore_mem>> -> memref<!tpu.dma_semaphore, #tpu.memory_space<semaphore_mem>>
    %dma_wait3A_87 = arith.constant 0 : i32
    %dma_wait3A_88 = arith.constant 0 : i32
    %dma_wait3A_89 = arith.constant 0 : i32
    %dma_wait3A_90 = arith.constant 0 : i32
    %dma_wait3A_91 = tpu.memref_slice %arg4[%dma_wait3A_72, %dma_wait3A_87, %dma_wait3A_88, %dma_wait3A_89, %dma_wait3A_90] : memref<2x8x2x8x128xf32, #tpu.memory_space<vmem>> -> memref<1x8x2x8x128xf32, #tpu.memory_space<vmem>>
    %dma_wait3A_92 = tpu.memref_squeeze %dma_wait3A_91 : memref<1x8x2x8x128xf32, #tpu.memory_space<vmem>> -> memref<8x2x8x128xf32, #tpu.memory_space<vmem>>
    %dma_wait3A_93 = arith.constant 0 : i32
    %dma_wait3A_94 = arith.constant 0 : i32
    %dma_wait3A_95 = arith.constant 0 : i32
    %dma_wait3A_96 = tpu.memref_slice %arg2[%dma_wait3A, %select_n3A, %dma_wait3A_93, %dma_wait3A_94, %dma_wait3A_95] : memref<2x256x2x8x128xf32, #tpu.memory_space<hbm>> -> memref<1x8x2x8x128xf32, #tpu.memory_space<hbm>>
    %dma_wait3A_97 = tpu.memref_squeeze %dma_wait3A_96 : memref<1x8x2x8x128xf32, #tpu.memory_space<hbm>> -> memref<8x2x8x128xf32, #tpu.memory_space<hbm>>
    tpu.wait_dma2 semaphore(%dma_wait3A_86 : memref<!tpu.dma_semaphore, #tpu.memory_space<semaphore_mem>>) src(%dma_wait3A_97 : memref<8x2x8x128xf32, #tpu.memory_space<hbm>>) dst(%dma_wait3A_92 : memref<8x2x8x128xf32, #tpu.memory_space<vmem>>)
    %parallel_loop3A = arith.constant 0 : i32
    %parallel_loop3A_98 = arith.constant 64 : i32
    %parallel_loop3A_99 = arith.constant 1 : i32
    scf.for %parallel_loop3A_132 = %parallel_loop3A to %parallel_loop3A_98 step %parallel_loop3A_99  : i32 {
      %parallel_loop3A_133 = arith.constant 3 : i32
      %parallel_loop3A_134 = arith.shrsi %parallel_loop3A_132, %parallel_loop3A_133 : i32
      %parallel_loop3A_135 = arith.constant 7 : i32
      %parallel_loop3A_136 = arith.andi %parallel_loop3A_132, %parallel_loop3A_135 : i32
      %parallel_loop3A_137 = arith.constant 0 : i32
      %parallel_loop3A_138 = arith.constant 0 : i32
      %parallel_loop3A_139 = arith.index_cast %parallel_loop3A_137 : i32 to index
      %parallel_loop3A_140 = arith.index_cast %parallel_loop3A_134 : i32 to index
      %parallel_loop3A_141 = arith.index_cast %parallel_loop3A_138 : i32 to index
      %parallel_loop3A_142 = arith.index_cast %parallel_loop3A_136 : i32 to index
      %parallel_loop3A_143 = arith.constant 0 : index
      %parallel_loop3A_144 = tpu.vector_load %arg4[%parallel_loop3A_139, %parallel_loop3A_140, %parallel_loop3A_141, %parallel_loop3A_142, %parallel_loop3A_143] {strides = array<i32>} : memref<2x8x2x8x128xf32, #tpu.memory_space<vmem>>, vector<1x1x1x1x16xf32>,
      %parallel_loop3A_145 = vector.shape_cast %parallel_loop3A_144 : vector<1x1x1x1x16xf32> to vector<16xf32>
      %parallel_loop3A_146 = arith.constant 0 : i32
      %parallel_loop3A_147 = vector.broadcast %parallel_loop3A_146 : i32 to vector<16xi32>
      %parallel_loop3A_148 = arith.constant 0 : i32
      %parallel_loop3A_149 = arith.constant 0 : i32
      %parallel_loop3A_150 = arith.index_cast %parallel_loop3A_148 : i32 to index
      %parallel_loop3A_151 = arith.index_cast %parallel_loop3A_134 : i32 to index
      %parallel_loop3A_152 = arith.index_cast %parallel_loop3A_149 : i32 to index
      %parallel_loop3A_153 = arith.index_cast %parallel_loop3A_136 : i32 to index
      %parallel_loop3A_154 = arith.constant 16 : index
      %parallel_loop3A_155 = tpu.vector_load %arg4[%parallel_loop3A_150, %parallel_loop3A_151, %parallel_loop3A_152, %parallel_loop3A_153, %parallel_loop3A_154] {strides = array<i32>} : memref<2x8x2x8x128xf32, #tpu.memory_space<vmem>>, vector<1x1x1x1x16xf32>,
      %parallel_loop3A_156 = vector.shape_cast %parallel_loop3A_155 : vector<1x1x1x1x16xf32> to vector<16xf32>
      %parallel_loop3A_157 = arith.cmpf olt, %parallel_loop3A_156, %parallel_loop3A_145 : vector<16xf32>
      %parallel_loop3A_158 = arith.select %parallel_loop3A_157, %parallel_loop3A_156, %parallel_loop3A_145 : vector<16xi1>, vector<16xf32>
      %parallel_loop3A_159 = arith.constant 1 : i32
      %parallel_loop3A_160 = vector.broadcast %parallel_loop3A_159 : i32 to vector<16xi32>
      %parallel_loop3A_161 = arith.select %parallel_loop3A_157, %parallel_loop3A_160, %parallel_loop3A_147 : vector<16xi1>, vector<16xi32>
      %parallel_loop3A_162 = arith.constant 0 : i32
      %parallel_loop3A_163 = arith.constant 0 : i32
      %parallel_loop3A_164 = arith.index_cast %parallel_loop3A_162 : i32 to index
      %parallel_loop3A_165 = arith.index_cast %parallel_loop3A_134 : i32 to index
      %parallel_loop3A_166 = arith.index_cast %parallel_loop3A_163 : i32 to index
      %parallel_loop3A_167 = arith.index_cast %parallel_loop3A_136 : i32 to index
      %parallel_loop3A_168 = arith.constant 32 : index
      %parallel_loop3A_169 = tpu.vector_load %arg4[%parallel_loop3A_164, %parallel_loop3A_165, %parallel_loop3A_166, %parallel_loop3A_167, %parallel_loop3A_168] {strides = array<i32>} : memref<2x8x2x8x128xf32, #tpu.memory_space<vmem>>, vector<1x1x1x1x16xf32>,
      %parallel_loop3A_170 = vector.shape_cast %parallel_loop3A_169 : vector<1x1x1x1x16xf32> to vector<16xf32>
      %parallel_loop3A_171 = arith.cmpf olt, %parallel_loop3A_170, %parallel_loop3A_158 : vector<16xf32>
      %parallel_loop3A_172 = arith.select %parallel_loop3A_171, %parallel_loop3A_170, %parallel_loop3A_158 : vector<16xi1>, vector<16xf32>
      %parallel_loop3A_173 = arith.constant 2 : i32
      %parallel_loop3A_174 = vector.broadcast %parallel_loop3A_173 : i32 to vector<16xi32>
      %parallel_loop3A_175 = arith.select %parallel_loop3A_171, %parallel_loop3A_174, %parallel_loop3A_161 : vector<16xi1>, vector<16xi32>
      %parallel_loop3A_176 = arith.constant 0 : i32
      %parallel_loop3A_177 = arith.constant 0 : i32
      %parallel_loop3A_178 = arith.index_cast %parallel_loop3A_176 : i32 to index
      %parallel_loop3A_179 = arith.index_cast %parallel_loop3A_134 : i32 to index
      %parallel_loop3A_180 = arith.index_cast %parallel_loop3A_177 : i32 to index
      %parallel_loop3A_181 = arith.index_cast %parallel_loop3A_136 : i32 to index
      %parallel_loop3A_182 = arith.constant 48 : index
      %parallel_loop3A_183 = tpu.vector_load %arg4[%parallel_loop3A_178, %parallel_loop3A_179, %parallel_loop3A_180, %parallel_loop3A_181, %parallel_loop3A_182] {strides = array<i32>} : memref<2x8x2x8x128xf32, #tpu.memory_space<vmem>>, vector<1x1x1x1x16xf32>,
      %parallel_loop3A_184 = vector.shape_cast %parallel_loop3A_183 : vector<1x1x1x1x16xf32> to vector<16xf32>
      %parallel_loop3A_185 = arith.cmpf olt, %parallel_loop3A_184, %parallel_loop3A_172 : vector<16xf32>
      %parallel_loop3A_186 = arith.select %parallel_loop3A_185, %parallel_loop3A_184, %parallel_loop3A_172 : vector<16xi1>, vector<16xf32>
      %parallel_loop3A_187 = arith.constant 3 : i32
      %parallel_loop3A_188 = vector.broadcast %parallel_loop3A_187 : i32 to vector<16xi32>
      %parallel_loop3A_189 = arith.select %parallel_loop3A_185, %parallel_loop3A_188, %parallel_loop3A_175 : vector<16xi1>, vector<16xi32>
      %parallel_loop3A_190 = arith.constant 0 : i32
      %parallel_loop3A_191 = arith.constant 0 : i32
      %parallel_loop3A_192 = arith.index_cast %parallel_loop3A_190 : i32 to index
      %parallel_loop3A_193 = arith.index_cast %parallel_loop3A_134 : i32 to index
      %parallel_loop3A_194 = arith.index_cast %parallel_loop3A_191 : i32 to index
      %parallel_loop3A_195 = arith.index_cast %parallel_loop3A_136 : i32 to index
      %parallel_loop3A_196 = arith.constant 64 : index
      %parallel_loop3A_197 = tpu.vector_load %arg4[%parallel_loop3A_192, %parallel_loop3A_193, %parallel_loop3A_194, %parallel_loop3A_195, %parallel_loop3A_196] {strides = array<i32>} : memref<2x8x2x8x128xf32, #tpu.memory_space<vmem>>, vector<1x1x1x1x16xf32>,
      %parallel_loop3A_198 = vector.shape_cast %parallel_loop3A_197 : vector<1x1x1x1x16xf32> to vector<16xf32>
      %parallel_loop3A_199 = arith.cmpf olt, %parallel_loop3A_198, %parallel_loop3A_186 : vector<16xf32>
      %parallel_loop3A_200 = arith.select %parallel_loop3A_199, %parallel_loop3A_198, %parallel_loop3A_186 : vector<16xi1>, vector<16xf32>
      %parallel_loop3A_201 = arith.constant 4 : i32
      %parallel_loop3A_202 = vector.broadcast %parallel_loop3A_201 : i32 to vector<16xi32>
      %parallel_loop3A_203 = arith.select %parallel_loop3A_199, %parallel_loop3A_202, %parallel_loop3A_189 : vector<16xi1>, vector<16xi32>
      %parallel_loop3A_204 = arith.constant 0 : i32
      %parallel_loop3A_205 = arith.constant 0 : i32
      %parallel_loop3A_206 = arith.index_cast %parallel_loop3A_204 : i32 to index
      %parallel_loop3A_207 = arith.index_cast %parallel_loop3A_134 : i32 to index
      %parallel_loop3A_208 = arith.index_cast %parallel_loop3A_205 : i32 to index
      %parallel_loop3A_209 = arith.index_cast %parallel_loop3A_136 : i32 to index
      %parallel_loop3A_210 = arith.constant 80 : index
      %parallel_loop3A_211 = tpu.vector_load %arg4[%parallel_loop3A_206, %parallel_loop3A_207, %parallel_loop3A_208, %parallel_loop3A_209, %parallel_loop3A_210] {strides = array<i32>} : memref<2x8x2x8x128xf32, #tpu.memory_space<vmem>>, vector<1x1x1x1x16xf32>,
      %parallel_loop3A_212 = vector.shape_cast %parallel_loop3A_211 : vector<1x1x1x1x16xf32> to vector<16xf32>
      %parallel_loop3A_213 = arith.cmpf olt, %parallel_loop3A_212, %parallel_loop3A_200 : vector<16xf32>
      %parallel_loop3A_214 = arith.select %parallel_loop3A_213, %parallel_loop3A_212, %parallel_loop3A_200 : vector<16xi1>, vector<16xf32>
      %parallel_loop3A_215 = arith.constant 5 : i32
      %parallel_loop3A_216 = vector.broadcast %parallel_loop3A_215 : i32 to vector<16xi32>
      %parallel_loop3A_217 = arith.select %parallel_loop3A_213, %parallel_loop3A_216, %parallel_loop3A_203 : vector<16xi1>, vector<16xi32>
      %parallel_loop3A_218 = arith.constant 0 : i32
      %parallel_loop3A_219 = arith.constant 0 : i32
      %parallel_loop3A_220 = arith.index_cast %parallel_loop3A_218 : i32 to index
      %parallel_loop3A_221 = arith.index_cast %parallel_loop3A_134 : i32 to index
      %parallel_loop3A_222 = arith.index_cast %parallel_loop3A_219 : i32 to index
      %parallel_loop3A_223 = arith.index_cast %parallel_loop3A_136 : i32 to index
      %parallel_loop3A_224 = arith.constant 96 : index
      %parallel_loop3A_225 = tpu.vector_load %arg4[%parallel_loop3A_220, %parallel_loop3A_221, %parallel_loop3A_222, %parallel_loop3A_223, %parallel_loop3A_224] {strides = array<i32>} : memref<2x8x2x8x128xf32, #tpu.memory_space<vmem>>, vector<1x1x1x1x16xf32>,
      %parallel_loop3A_226 = vector.shape_cast %parallel_loop3A_225 : vector<1x1x1x1x16xf32> to vector<16xf32>
      %parallel_loop3A_227 = arith.cmpf olt, %parallel_loop3A_226, %parallel_loop3A_214 : vector<16xf32>
      %parallel_loop3A_228 = arith.select %parallel_loop3A_227, %parallel_loop3A_226, %parallel_loop3A_214 : vector<16xi1>, vector<16xf32>
      %parallel_loop3A_229 = arith.constant 6 : i32
      %parallel_loop3A_230 = vector.broadcast %parallel_loop3A_229 : i32 to vector<16xi32>
      %parallel_loop3A_231 = arith.select %parallel_loop3A_227, %parallel_loop3A_230, %parallel_loop3A_217 : vector<16xi1>, vector<16xi32>
      %parallel_loop3A_232 = arith.constant 0 : i32
      %parallel_loop3A_233 = arith.constant 0 : i32
      %parallel_loop3A_234 = arith.index_cast %parallel_loop3A_232 : i32 to index
      %parallel_loop3A_235 = arith.index_cast %parallel_loop3A_134 : i32 to index
      %parallel_loop3A_236 = arith.index_cast %parallel_loop3A_233 : i32 to index
      %parallel_loop3A_237 = arith.index_cast %parallel_loop3A_136 : i32 to index
      %parallel_loop3A_238 = arith.constant 112 : index
      %parallel_loop3A_239 = tpu.vector_load %arg4[%parallel_loop3A_234, %parallel_loop3A_235, %parallel_loop3A_236, %parallel_loop3A_237, %parallel_loop3A_238] {strides = array<i32>} : memref<2x8x2x8x128xf32, #tpu.memory_space<vmem>>, vector<1x1x1x1x16xf32>,
      %parallel_loop3A_240 = vector.shape_cast %parallel_loop3A_239 : vector<1x1x1x1x16xf32> to vector<16xf32>
      %parallel_loop3A_241 = arith.cmpf olt, %parallel_loop3A_240, %parallel_loop3A_228 : vector<16xf32>
      %parallel_loop3A_242 = arith.select %parallel_loop3A_241, %parallel_loop3A_240, %parallel_loop3A_228 : vector<16xi1>, vector<16xf32>
      %parallel_loop3A_243 = arith.constant 7 : i32
      %parallel_loop3A_244 = vector.broadcast %parallel_loop3A_243 : i32 to vector<16xi32>
      %parallel_loop3A_245 = arith.select %parallel_loop3A_241, %parallel_loop3A_244, %parallel_loop3A_231 : vector<16xi1>, vector<16xi32>
      %parallel_loop3A_246 = arith.constant 0 : i32
      %parallel_loop3A_247 = arith.constant 1 : i32
      %parallel_loop3A_248 = arith.index_cast %parallel_loop3A_246 : i32 to index
      %parallel_loop3A_249 = arith.index_cast %parallel_loop3A_134 : i32 to index
      %parallel_loop3A_250 = arith.index_cast %parallel_loop3A_247 : i32 to index
      %parallel_loop3A_251 = arith.index_cast %parallel_loop3A_136 : i32 to index
      %parallel_loop3A_252 = arith.constant 0 : index
      %parallel_loop3A_253 = tpu.vector_load %arg4[%parallel_loop3A_248, %parallel_loop3A_249, %parallel_loop3A_250, %parallel_loop3A_251, %parallel_loop3A_252] {strides = array<i32>} : memref<2x8x2x8x128xf32, #tpu.memory_space<vmem>>, vector<1x1x1x1x16xf32>,
      %parallel_loop3A_254 = vector.shape_cast %parallel_loop3A_253 : vector<1x1x1x1x16xf32> to vector<16xf32>
      %parallel_loop3A_255 = arith.cmpf olt, %parallel_loop3A_254, %parallel_loop3A_242 : vector<16xf32>
      %parallel_loop3A_256 = arith.select %parallel_loop3A_255, %parallel_loop3A_254, %parallel_loop3A_242 : vector<16xi1>, vector<16xf32>
      %parallel_loop3A_257 = arith.constant 8 : i32
      %parallel_loop3A_258 = vector.broadcast %parallel_loop3A_257 : i32 to vector<16xi32>
      %parallel_loop3A_259 = arith.select %parallel_loop3A_255, %parallel_loop3A_258, %parallel_loop3A_245 : vector<16xi1>, vector<16xi32>
      %parallel_loop3A_260 = arith.constant 0 : i32
      %parallel_loop3A_261 = arith.constant 1 : i32
      %parallel_loop3A_262 = arith.index_cast %parallel_loop3A_260 : i32 to index
      %parallel_loop3A_263 = arith.index_cast %parallel_loop3A_134 : i32 to index
      %parallel_loop3A_264 = arith.index_cast %parallel_loop3A_261 : i32 to index
      %parallel_loop3A_265 = arith.index_cast %parallel_loop3A_136 : i32 to index
      %parallel_loop3A_266 = arith.constant 16 : index
      %parallel_loop3A_267 = tpu.vector_load %arg4[%parallel_loop3A_262, %parallel_loop3A_263, %parallel_loop3A_264, %parallel_loop3A_265, %parallel_loop3A_266] {strides = array<i32>} : memref<2x8x2x8x128xf32, #tpu.memory_space<vmem>>, vector<1x1x1x1x16xf32>,
      %parallel_loop3A_268 = vector.shape_cast %parallel_loop3A_267 : vector<1x1x1x1x16xf32> to vector<16xf32>
      %parallel_loop3A_269 = arith.cmpf olt, %parallel_loop3A_268, %parallel_loop3A_256 : vector<16xf32>
      %parallel_loop3A_270 = arith.select %parallel_loop3A_269, %parallel_loop3A_268, %parallel_loop3A_256 : vector<16xi1>, vector<16xf32>
      %parallel_loop3A_271 = arith.constant 9 : i32
      %parallel_loop3A_272 = vector.broadcast %parallel_loop3A_271 : i32 to vector<16xi32>
      %parallel_loop3A_273 = arith.select %parallel_loop3A_269, %parallel_loop3A_272, %parallel_loop3A_259 : vector<16xi1>, vector<16xi32>
      %parallel_loop3A_274 = arith.constant 0 : i32
      %parallel_loop3A_275 = arith.constant 1 : i32
      %parallel_loop3A_276 = arith.index_cast %parallel_loop3A_274 : i32 to index
      %parallel_loop3A_277 = arith.index_cast %parallel_loop3A_134 : i32 to index
      %parallel_loop3A_278 = arith.index_cast %parallel_loop3A_275 : i32 to index
      %parallel_loop3A_279 = arith.index_cast %parallel_loop3A_136 : i32 to index
      %parallel_loop3A_280 = arith.constant 32 : index
      %parallel_loop3A_281 = tpu.vector_load %arg4[%parallel_loop3A_276, %parallel_loop3A_277, %parallel_loop3A_278, %parallel_loop3A_279, %parallel_loop3A_280] {strides = array<i32>} : memref<2x8x2x8x128xf32, #tpu.memory_space<vmem>>, vector<1x1x1x1x16xf32>,
      %parallel_loop3A_282 = vector.shape_cast %parallel_loop3A_281 : vector<1x1x1x1x16xf32> to vector<16xf32>
      %parallel_loop3A_283 = arith.cmpf olt, %parallel_loop3A_282, %parallel_loop3A_270 : vector<16xf32>
      %parallel_loop3A_284 = arith.select %parallel_loop3A_283, %parallel_loop3A_282, %parallel_loop3A_270 : vector<16xi1>, vector<16xf32>
      %parallel_loop3A_285 = arith.constant 10 : i32
      %parallel_loop3A_286 = vector.broadcast %parallel_loop3A_285 : i32 to vector<16xi32>
      %parallel_loop3A_287 = arith.select %parallel_loop3A_283, %parallel_loop3A_286, %parallel_loop3A_273 : vector<16xi1>, vector<16xi32>
      %parallel_loop3A_288 = arith.constant 0 : i32
      %parallel_loop3A_289 = arith.constant 1 : i32
      %parallel_loop3A_290 = arith.index_cast %parallel_loop3A_288 : i32 to index
      %parallel_loop3A_291 = arith.index_cast %parallel_loop3A_134 : i32 to index
      %parallel_loop3A_292 = arith.index_cast %parallel_loop3A_289 : i32 to index
      %parallel_loop3A_293 = arith.index_cast %parallel_loop3A_136 : i32 to index
      %parallel_loop3A_294 = arith.constant 48 : index
      %parallel_loop3A_295 = tpu.vector_load %arg4[%parallel_loop3A_290, %parallel_loop3A_291, %parallel_loop3A_292, %parallel_loop3A_293, %parallel_loop3A_294] {strides = array<i32>} : memref<2x8x2x8x128xf32, #tpu.memory_space<vmem>>, vector<1x1x1x1x16xf32>,
      %parallel_loop3A_296 = vector.shape_cast %parallel_loop3A_295 : vector<1x1x1x1x16xf32> to vector<16xf32>
      %parallel_loop3A_297 = arith.cmpf olt, %parallel_loop3A_296, %parallel_loop3A_284 : vector<16xf32>
      %parallel_loop3A_298 = arith.select %parallel_loop3A_297, %parallel_loop3A_296, %parallel_loop3A_284 : vector<16xi1>, vector<16xf32>
      %parallel_loop3A_299 = arith.constant 11 : i32
      %parallel_loop3A_300 = vector.broadcast %parallel_loop3A_299 : i32 to vector<16xi32>
      %parallel_loop3A_301 = arith.select %parallel_loop3A_297, %parallel_loop3A_300, %parallel_loop3A_287 : vector<16xi1>, vector<16xi32>
      %parallel_loop3A_302 = arith.constant 0 : i32
      %parallel_loop3A_303 = arith.constant 1 : i32
      %parallel_loop3A_304 = arith.index_cast %parallel_loop3A_302 : i32 to index
      %parallel_loop3A_305 = arith.index_cast %parallel_loop3A_134 : i32 to index
      %parallel_loop3A_306 = arith.index_cast %parallel_loop3A_303 : i32 to index
      %parallel_loop3A_307 = arith.index_cast %parallel_loop3A_136 : i32 to index
      %parallel_loop3A_308 = arith.constant 64 : index
      %parallel_loop3A_309 = tpu.vector_load %arg4[%parallel_loop3A_304, %parallel_loop3A_305, %parallel_loop3A_306, %parallel_loop3A_307, %parallel_loop3A_308] {strides = array<i32>} : memref<2x8x2x8x128xf32, #tpu.memory_space<vmem>>, vector<1x1x1x1x16xf32>,
      %parallel_loop3A_310 = vector.shape_cast %parallel_loop3A_309 : vector<1x1x1x1x16xf32> to vector<16xf32>
      %parallel_loop3A_311 = arith.cmpf olt, %parallel_loop3A_310, %parallel_loop3A_298 : vector<16xf32>
      %parallel_loop3A_312 = arith.select %parallel_loop3A_311, %parallel_loop3A_310, %parallel_loop3A_298 : vector<16xi1>, vector<16xf32>
      %parallel_loop3A_313 = arith.constant 12 : i32
      %parallel_loop3A_314 = vector.broadcast %parallel_loop3A_313 : i32 to vector<16xi32>
      %parallel_loop3A_315 = arith.select %parallel_loop3A_311, %parallel_loop3A_314, %parallel_loop3A_301 : vector<16xi1>, vector<16xi32>
      %parallel_loop3A_316 = arith.constant 0 : i32
      %parallel_loop3A_317 = arith.constant 1 : i32
      %parallel_loop3A_318 = arith.index_cast %parallel_loop3A_316 : i32 to index
      %parallel_loop3A_319 = arith.index_cast %parallel_loop3A_134 : i32 to index
      %parallel_loop3A_320 = arith.index_cast %parallel_loop3A_317 : i32 to index
      %parallel_loop3A_321 = arith.index_cast %parallel_loop3A_136 : i32 to index
      %parallel_loop3A_322 = arith.constant 80 : index
      %parallel_loop3A_323 = tpu.vector_load %arg4[%parallel_loop3A_318, %parallel_loop3A_319, %parallel_loop3A_320, %parallel_loop3A_321, %parallel_loop3A_322] {strides = array<i32>} : memref<2x8x2x8x128xf32, #tpu.memory_space<vmem>>, vector<1x1x1x1x16xf32>,
      %parallel_loop3A_324 = vector.shape_cast %parallel_loop3A_323 : vector<1x1x1x1x16xf32> to vector<16xf32>
      %parallel_loop3A_325 = arith.cmpf olt, %parallel_loop3A_324, %parallel_loop3A_312 : vector<16xf32>
      %parallel_loop3A_326 = arith.select %parallel_loop3A_325, %parallel_loop3A_324, %parallel_loop3A_312 : vector<16xi1>, vector<16xf32>
      %parallel_loop3A_327 = arith.constant 13 : i32
      %parallel_loop3A_328 = vector.broadcast %parallel_loop3A_327 : i32 to vector<16xi32>
      %parallel_loop3A_329 = arith.select %parallel_loop3A_325, %parallel_loop3A_328, %parallel_loop3A_315 : vector<16xi1>, vector<16xi32>
      %parallel_loop3A_330 = arith.constant 0 : i32
      %parallel_loop3A_331 = arith.constant 1 : i32
      %parallel_loop3A_332 = arith.index_cast %parallel_loop3A_330 : i32 to index
      %parallel_loop3A_333 = arith.index_cast %parallel_loop3A_134 : i32 to index
      %parallel_loop3A_334 = arith.index_cast %parallel_loop3A_331 : i32 to index
      %parallel_loop3A_335 = arith.index_cast %parallel_loop3A_136 : i32 to index
      %parallel_loop3A_336 = arith.constant 96 : index
      %parallel_loop3A_337 = tpu.vector_load %arg4[%parallel_loop3A_332, %parallel_loop3A_333, %parallel_loop3A_334, %parallel_loop3A_335, %parallel_loop3A_336] {strides = array<i32>} : memref<2x8x2x8x128xf32, #tpu.memory_space<vmem>>, vector<1x1x1x1x16xf32>,
      %parallel_loop3A_338 = vector.shape_cast %parallel_loop3A_337 : vector<1x1x1x1x16xf32> to vector<16xf32>
      %parallel_loop3A_339 = arith.cmpf olt, %parallel_loop3A_338, %parallel_loop3A_326 : vector<16xf32>
      %parallel_loop3A_340 = arith.select %parallel_loop3A_339, %parallel_loop3A_338, %parallel_loop3A_326 : vector<16xi1>, vector<16xf32>
      %parallel_loop3A_341 = arith.constant 14 : i32
      %parallel_loop3A_342 = vector.broadcast %parallel_loop3A_341 : i32 to vector<16xi32>
      %parallel_loop3A_343 = arith.select %parallel_loop3A_339, %parallel_loop3A_342, %parallel_loop3A_329 : vector<16xi1>, vector<16xi32>
      %parallel_loop3A_344 = arith.constant 0 : i32
      %parallel_loop3A_345 = arith.constant 1 : i32
      %parallel_loop3A_346 = arith.index_cast %parallel_loop3A_344 : i32 to index
      %parallel_loop3A_347 = arith.index_cast %parallel_loop3A_134 : i32 to index
      %parallel_loop3A_348 = arith.index_cast %parallel_loop3A_345 : i32 to index
      %parallel_loop3A_349 = arith.index_cast %parallel_loop3A_136 : i32 to index
      %parallel_loop3A_350 = arith.constant 112 : index
      %parallel_loop3A_351 = tpu.vector_load %arg4[%parallel_loop3A_346, %parallel_loop3A_347, %parallel_loop3A_348, %parallel_loop3A_349, %parallel_loop3A_350] {strides = array<i32>} : memref<2x8x2x8x128xf32, #tpu.memory_space<vmem>>, vector<1x1x1x1x16xf32>,
      %parallel_loop3A_352 = vector.shape_cast %parallel_loop3A_351 : vector<1x1x1x1x16xf32> to vector<16xf32>
      %parallel_loop3A_353 = arith.cmpf olt, %parallel_loop3A_352, %parallel_loop3A_340 : vector<16xf32>
      %parallel_loop3A_354 = arith.select %parallel_loop3A_353, %parallel_loop3A_352, %parallel_loop3A_340 : vector<16xi1>, vector<16xf32>
      %parallel_loop3A_355 = arith.constant 15 : i32
      %parallel_loop3A_356 = vector.broadcast %parallel_loop3A_355 : i32 to vector<16xi32>
      %parallel_loop3A_357 = arith.select %parallel_loop3A_353, %parallel_loop3A_356, %parallel_loop3A_343 : vector<16xi1>, vector<16xi32>
      %parallel_loop3A_358 = arith.constant 2 : i32
      %parallel_loop3A_359 = arith.muli %parallel_loop3A_358, %parallel_loop3A_132 : i32
      %parallel_loop3A_360 = arith.constant 0 : i32
      %parallel_loop3A_361 = arith.addi %parallel_loop3A_359, %parallel_loop3A_360 : i32
      %parallel_loop3A_362 = arith.constant 16 : i32
      %parallel_loop3A_363 = arith.muli %parallel_loop3A_361, %parallel_loop3A_362 : i32
      %parallel_loop3A_364 = arith.index_cast %parallel_loop3A_363 : i32 to index
      %parallel_loop3A_365 = tpu.vector_load %arg5[%parallel_loop3A_364] {strides = array<i32>} : memref<2048xi32, #tpu.memory_space<vmem>>, vector<16xi32>,
      %parallel_loop3A_366 = vector.shape_cast %parallel_loop3A_365 : vector<16xi32> to vector<16xi32>
      %parallel_loop3A_367 = vector.shape_cast %parallel_loop3A_357 : vector<16xi32> to vector<16xi32>
      tpu.vector_store %arg5[%parallel_loop3A_364], %parallel_loop3A_367 {strides = array<i32>} : memref<2048xi32, #tpu.memory_space<vmem>>, vector<16xi32>,
    } {sc.loop_unroll_factor = 2 : i64, sc.parallel_access}
    %dma_wait3A_100 = arith.constant 1 : i32
    %dma_wait3A_101 = arith.constant 1 : i32
    %dma_wait3A_102 = arith.constant 1 : i32
    %dma_wait3A_103 = arith.constant 0 : i32
    %dma_wait3A_104 = arith.constant 0 : i32
    %dma_wait3A_105 = arith.constant 0 : i32
    %dma_wait3A_106 = arith.constant 0 : i32
    %dma_wait3A_107 = tpu.memref_slice %arg4[%dma_wait3A_101, %dma_wait3A_103, %dma_wait3A_104, %dma_wait3A_105, %dma_wait3A_106] : memref<2x8x2x8x128xf32, #tpu.memory_space<vmem>> -> memref<1x8x2x8x128xf32, #tpu.memory_space<vmem>>
    %dma_wait3A_108 = tpu.memref_squeeze %dma_wait3A_107 : memref<1x8x2x8x128xf32, #tpu.memory_space<vmem>> -> memref<8x2x8x128xf32, #tpu.memory_space<vmem>>
    %dma_wait3A_109 = arith.constant 0 : i32
    %dma_wait3A_110 = arith.constant 0 : i32
    %dma_wait3A_111 = arith.constant 0 : i32
    %dma_wait3A_112 = tpu.memref_slice %arg2[%dma_wait3A_100, %select_n3A, %dma_wait3A_109, %dma_wait3A_110, %dma_wait3A_111] : memref<2x256x2x8x128xf32, #tpu.memory_space<hbm>> -> memref<1x8x2x8x128xf32, #tpu.memory_space<hbm>>
    %dma_wait3A_113 = tpu.memref_squeeze %dma_wait3A_112 : memref<1x8x2x8x128xf32, #tpu.memory_space<hbm>> -> memref<8x2x8x128xf32, #tpu.memory_space<hbm>>
    %dma_wait3A_114 = tpu.memref_slice %arg6[%dma_wait3A_102] : memref<2x!tpu.dma_semaphore, #tpu.memory_space<semaphore_mem>> -> memref<1x!tpu.dma_semaphore, #tpu.memory_space<semaphore_mem>>
    %dma_wait3A_115 = tpu.memref_squeeze %dma_wait3A_114 : memref<1x!tpu.dma_semaphore, #tpu.memory_space<semaphore_mem>> -> memref<!tpu.dma_semaphore, #tpu.memory_space<semaphore_mem>>
    %dma_wait3A_116 = arith.constant 0 : i32
    %dma_wait3A_117 = arith.constant 0 : i32
    %dma_wait3A_118 = arith.constant 0 : i32
    %dma_wait3A_119 = arith.constant 0 : i32
    %dma_wait3A_120 = tpu.memref_slice %arg4[%dma_wait3A_101, %dma_wait3A_116, %dma_wait3A_117, %dma_wait3A_118, %dma_wait3A_119] : memref<2x8x2x8x128xf32, #tpu.memory_space<vmem>> -> memref<1x8x2x8x128xf32, #tpu.memory_space<vmem>>
    %dma_wait3A_121 = tpu.memref_squeeze %dma_wait3A_120 : memref<1x8x2x8x128xf32, #tpu.memory_space<vmem>> -> memref<8x2x8x128xf32, #tpu.memory_space<vmem>>
    %dma_wait3A_122 = arith.constant 0 : i32
    %dma_wait3A_123 = arith.constant 0 : i32
    %dma_wait3A_124 = arith.constant 0 : i32
    %dma_wait3A_125 = tpu.memref_slice %arg2[%dma_wait3A_100, %select_n3A, %dma_wait3A_122, %dma_wait3A_123, %dma_wait3A_124] : memref<2x256x2x8x128xf32, #tpu.memory_space<hbm>> -> memref<1x8x2x8x128xf32, #tpu.memory_space<hbm>>
    %dma_wait3A_126 = tpu.memref_squeeze %dma_wait3A_125 : memref<1x8x2x8x128xf32, #tpu.memory_space<hbm>> -> memref<8x2x8x128xf32, #tpu.memory_space<hbm>>
    tpu.wait_dma2 semaphore(%dma_wait3A_115 : memref<!tpu.dma_semaphore, #tpu.memory_space<semaphore_mem>>) src(%dma_wait3A_126 : memref<8x2x8x128xf32, #tpu.memory_space<hbm>>) dst(%dma_wait3A_121 : memref<8x2x8x128xf32, #tpu.memory_space<vmem>>)
    %parallel_loop3A_127 = arith.constant 0 : i32
    %parallel_loop3A_128 = arith.constant 64 : i32
    %parallel_loop3A_129 = arith.constant 1 : i32
    scf.for %parallel_loop3A_132 = %parallel_loop3A_127 to %parallel_loop3A_128 step %parallel_loop3A_129  : i32 {
      %parallel_loop3A_133 = arith.constant 3 : i32
      %parallel_loop3A_134 = arith.shrsi %parallel_loop3A_132, %parallel_loop3A_133 : i32
      %parallel_loop3A_135 = arith.constant 7 : i32
      %parallel_loop3A_136 = arith.andi %parallel_loop3A_132, %parallel_loop3A_135 : i32
      %parallel_loop3A_137 = arith.constant 1 : i32
      %parallel_loop3A_138 = arith.constant 0 : i32
      %parallel_loop3A_139 = arith.index_cast %parallel_loop3A_137 : i32 to index
      %parallel_loop3A_140 = arith.index_cast %parallel_loop3A_134 : i32 to index
      %parallel_loop3A_141 = arith.index_cast %parallel_loop3A_138 : i32 to index
      %parallel_loop3A_142 = arith.index_cast %parallel_loop3A_136 : i32 to index
      %parallel_loop3A_143 = arith.constant 0 : index
      %parallel_loop3A_144 = tpu.vector_load %arg4[%parallel_loop3A_139, %parallel_loop3A_140, %parallel_loop3A_141, %parallel_loop3A_142, %parallel_loop3A_143] {strides = array<i32>} : memref<2x8x2x8x128xf32, #tpu.memory_space<vmem>>, vector<1x1x1x1x16xf32>,
      %parallel_loop3A_145 = vector.shape_cast %parallel_loop3A_144 : vector<1x1x1x1x16xf32> to vector<16xf32>
      %parallel_loop3A_146 = arith.constant 0 : i32
      %parallel_loop3A_147 = vector.broadcast %parallel_loop3A_146 : i32 to vector<16xi32>
      %parallel_loop3A_148 = arith.constant 1 : i32
      %parallel_loop3A_149 = arith.constant 0 : i32
      %parallel_loop3A_150 = arith.index_cast %parallel_loop3A_148 : i32 to index
      %parallel_loop3A_151 = arith.index_cast %parallel_loop3A_134 : i32 to index
      %parallel_loop3A_152 = arith.index_cast %parallel_loop3A_149 : i32 to index
      %parallel_loop3A_153 = arith.index_cast %parallel_loop3A_136 : i32 to index
      %parallel_loop3A_154 = arith.constant 16 : index
      %parallel_loop3A_155 = tpu.vector_load %arg4[%parallel_loop3A_150, %parallel_loop3A_151, %parallel_loop3A_152, %parallel_loop3A_153, %parallel_loop3A_154] {strides = array<i32>} : memref<2x8x2x8x128xf32, #tpu.memory_space<vmem>>, vector<1x1x1x1x16xf32>,
      %parallel_loop3A_156 = vector.shape_cast %parallel_loop3A_155 : vector<1x1x1x1x16xf32> to vector<16xf32>
      %parallel_loop3A_157 = arith.cmpf olt, %parallel_loop3A_156, %parallel_loop3A_145 : vector<16xf32>
      %parallel_loop3A_158 = arith.select %parallel_loop3A_157, %parallel_loop3A_156, %parallel_loop3A_145 : vector<16xi1>, vector<16xf32>
      %parallel_loop3A_159 = arith.constant 1 : i32
      %parallel_loop3A_160 = vector.broadcast %parallel_loop3A_159 : i32 to vector<16xi32>
      %parallel_loop3A_161 = arith.select %parallel_loop3A_157, %parallel_loop3A_160, %parallel_loop3A_147 : vector<16xi1>, vector<16xi32>
      %parallel_loop3A_162 = arith.constant 1 : i32
      %parallel_loop3A_163 = arith.constant 0 : i32
      %parallel_loop3A_164 = arith.index_cast %parallel_loop3A_162 : i32 to index
      %parallel_loop3A_165 = arith.index_cast %parallel_loop3A_134 : i32 to index
      %parallel_loop3A_166 = arith.index_cast %parallel_loop3A_163 : i32 to index
      %parallel_loop3A_167 = arith.index_cast %parallel_loop3A_136 : i32 to index
      %parallel_loop3A_168 = arith.constant 32 : index
      %parallel_loop3A_169 = tpu.vector_load %arg4[%parallel_loop3A_164, %parallel_loop3A_165, %parallel_loop3A_166, %parallel_loop3A_167, %parallel_loop3A_168] {strides = array<i32>} : memref<2x8x2x8x128xf32, #tpu.memory_space<vmem>>, vector<1x1x1x1x16xf32>,
      %parallel_loop3A_170 = vector.shape_cast %parallel_loop3A_169 : vector<1x1x1x1x16xf32> to vector<16xf32>
      %parallel_loop3A_171 = arith.cmpf olt, %parallel_loop3A_170, %parallel_loop3A_158 : vector<16xf32>
      %parallel_loop3A_172 = arith.select %parallel_loop3A_171, %parallel_loop3A_170, %parallel_loop3A_158 : vector<16xi1>, vector<16xf32>
      %parallel_loop3A_173 = arith.constant 2 : i32
      %parallel_loop3A_174 = vector.broadcast %parallel_loop3A_173 : i32 to vector<16xi32>
      %parallel_loop3A_175 = arith.select %parallel_loop3A_171, %parallel_loop3A_174, %parallel_loop3A_161 : vector<16xi1>, vector<16xi32>
      %parallel_loop3A_176 = arith.constant 1 : i32
      %parallel_loop3A_177 = arith.constant 0 : i32
      %parallel_loop3A_178 = arith.index_cast %parallel_loop3A_176 : i32 to index
      %parallel_loop3A_179 = arith.index_cast %parallel_loop3A_134 : i32 to index
      %parallel_loop3A_180 = arith.index_cast %parallel_loop3A_177 : i32 to index
      %parallel_loop3A_181 = arith.index_cast %parallel_loop3A_136 : i32 to index
      %parallel_loop3A_182 = arith.constant 48 : index
      %parallel_loop3A_183 = tpu.vector_load %arg4[%parallel_loop3A_178, %parallel_loop3A_179, %parallel_loop3A_180, %parallel_loop3A_181, %parallel_loop3A_182] {strides = array<i32>} : memref<2x8x2x8x128xf32, #tpu.memory_space<vmem>>, vector<1x1x1x1x16xf32>,
      %parallel_loop3A_184 = vector.shape_cast %parallel_loop3A_183 : vector<1x1x1x1x16xf32> to vector<16xf32>
      %parallel_loop3A_185 = arith.cmpf olt, %parallel_loop3A_184, %parallel_loop3A_172 : vector<16xf32>
      %parallel_loop3A_186 = arith.select %parallel_loop3A_185, %parallel_loop3A_184, %parallel_loop3A_172 : vector<16xi1>, vector<16xf32>
      %parallel_loop3A_187 = arith.constant 3 : i32
      %parallel_loop3A_188 = vector.broadcast %parallel_loop3A_187 : i32 to vector<16xi32>
      %parallel_loop3A_189 = arith.select %parallel_loop3A_185, %parallel_loop3A_188, %parallel_loop3A_175 : vector<16xi1>, vector<16xi32>
      %parallel_loop3A_190 = arith.constant 1 : i32
      %parallel_loop3A_191 = arith.constant 0 : i32
      %parallel_loop3A_192 = arith.index_cast %parallel_loop3A_190 : i32 to index
      %parallel_loop3A_193 = arith.index_cast %parallel_loop3A_134 : i32 to index
      %parallel_loop3A_194 = arith.index_cast %parallel_loop3A_191 : i32 to index
      %parallel_loop3A_195 = arith.index_cast %parallel_loop3A_136 : i32 to index
      %parallel_loop3A_196 = arith.constant 64 : index
      %parallel_loop3A_197 = tpu.vector_load %arg4[%parallel_loop3A_192, %parallel_loop3A_193, %parallel_loop3A_194, %parallel_loop3A_195, %parallel_loop3A_196] {strides = array<i32>} : memref<2x8x2x8x128xf32, #tpu.memory_space<vmem>>, vector<1x1x1x1x16xf32>,
      %parallel_loop3A_198 = vector.shape_cast %parallel_loop3A_197 : vector<1x1x1x1x16xf32> to vector<16xf32>
      %parallel_loop3A_199 = arith.cmpf olt, %parallel_loop3A_198, %parallel_loop3A_186 : vector<16xf32>
      %parallel_loop3A_200 = arith.select %parallel_loop3A_199, %parallel_loop3A_198, %parallel_loop3A_186 : vector<16xi1>, vector<16xf32>
      %parallel_loop3A_201 = arith.constant 4 : i32
      %parallel_loop3A_202 = vector.broadcast %parallel_loop3A_201 : i32 to vector<16xi32>
      %parallel_loop3A_203 = arith.select %parallel_loop3A_199, %parallel_loop3A_202, %parallel_loop3A_189 : vector<16xi1>, vector<16xi32>
      %parallel_loop3A_204 = arith.constant 1 : i32
      %parallel_loop3A_205 = arith.constant 0 : i32
      %parallel_loop3A_206 = arith.index_cast %parallel_loop3A_204 : i32 to index
      %parallel_loop3A_207 = arith.index_cast %parallel_loop3A_134 : i32 to index
      %parallel_loop3A_208 = arith.index_cast %parallel_loop3A_205 : i32 to index
      %parallel_loop3A_209 = arith.index_cast %parallel_loop3A_136 : i32 to index
      %parallel_loop3A_210 = arith.constant 80 : index
      %parallel_loop3A_211 = tpu.vector_load %arg4[%parallel_loop3A_206, %parallel_loop3A_207, %parallel_loop3A_208, %parallel_loop3A_209, %parallel_loop3A_210] {strides = array<i32>} : memref<2x8x2x8x128xf32, #tpu.memory_space<vmem>>, vector<1x1x1x1x16xf32>,
      %parallel_loop3A_212 = vector.shape_cast %parallel_loop3A_211 : vector<1x1x1x1x16xf32> to vector<16xf32>
      %parallel_loop3A_213 = arith.cmpf olt, %parallel_loop3A_212, %parallel_loop3A_200 : vector<16xf32>
      %parallel_loop3A_214 = arith.select %parallel_loop3A_213, %parallel_loop3A_212, %parallel_loop3A_200 : vector<16xi1>, vector<16xf32>
      %parallel_loop3A_215 = arith.constant 5 : i32
      %parallel_loop3A_216 = vector.broadcast %parallel_loop3A_215 : i32 to vector<16xi32>
      %parallel_loop3A_217 = arith.select %parallel_loop3A_213, %parallel_loop3A_216, %parallel_loop3A_203 : vector<16xi1>, vector<16xi32>
      %parallel_loop3A_218 = arith.constant 1 : i32
      %parallel_loop3A_219 = arith.constant 0 : i32
      %parallel_loop3A_220 = arith.index_cast %parallel_loop3A_218 : i32 to index
      %parallel_loop3A_221 = arith.index_cast %parallel_loop3A_134 : i32 to index
      %parallel_loop3A_222 = arith.index_cast %parallel_loop3A_219 : i32 to index
      %parallel_loop3A_223 = arith.index_cast %parallel_loop3A_136 : i32 to index
      %parallel_loop3A_224 = arith.constant 96 : index
      %parallel_loop3A_225 = tpu.vector_load %arg4[%parallel_loop3A_220, %parallel_loop3A_221, %parallel_loop3A_222, %parallel_loop3A_223, %parallel_loop3A_224] {strides = array<i32>} : memref<2x8x2x8x128xf32, #tpu.memory_space<vmem>>, vector<1x1x1x1x16xf32>,
      %parallel_loop3A_226 = vector.shape_cast %parallel_loop3A_225 : vector<1x1x1x1x16xf32> to vector<16xf32>
      %parallel_loop3A_227 = arith.cmpf olt, %parallel_loop3A_226, %parallel_loop3A_214 : vector<16xf32>
      %parallel_loop3A_228 = arith.select %parallel_loop3A_227, %parallel_loop3A_226, %parallel_loop3A_214 : vector<16xi1>, vector<16xf32>
      %parallel_loop3A_229 = arith.constant 6 : i32
      %parallel_loop3A_230 = vector.broadcast %parallel_loop3A_229 : i32 to vector<16xi32>
      %parallel_loop3A_231 = arith.select %parallel_loop3A_227, %parallel_loop3A_230, %parallel_loop3A_217 : vector<16xi1>, vector<16xi32>
      %parallel_loop3A_232 = arith.constant 1 : i32
      %parallel_loop3A_233 = arith.constant 0 : i32
      %parallel_loop3A_234 = arith.index_cast %parallel_loop3A_232 : i32 to index
      %parallel_loop3A_235 = arith.index_cast %parallel_loop3A_134 : i32 to index
      %parallel_loop3A_236 = arith.index_cast %parallel_loop3A_233 : i32 to index
      %parallel_loop3A_237 = arith.index_cast %parallel_loop3A_136 : i32 to index
      %parallel_loop3A_238 = arith.constant 112 : index
      %parallel_loop3A_239 = tpu.vector_load %arg4[%parallel_loop3A_234, %parallel_loop3A_235, %parallel_loop3A_236, %parallel_loop3A_237, %parallel_loop3A_238] {strides = array<i32>} : memref<2x8x2x8x128xf32, #tpu.memory_space<vmem>>, vector<1x1x1x1x16xf32>,
      %parallel_loop3A_240 = vector.shape_cast %parallel_loop3A_239 : vector<1x1x1x1x16xf32> to vector<16xf32>
      %parallel_loop3A_241 = arith.cmpf olt, %parallel_loop3A_240, %parallel_loop3A_228 : vector<16xf32>
      %parallel_loop3A_242 = arith.select %parallel_loop3A_241, %parallel_loop3A_240, %parallel_loop3A_228 : vector<16xi1>, vector<16xf32>
      %parallel_loop3A_243 = arith.constant 7 : i32
      %parallel_loop3A_244 = vector.broadcast %parallel_loop3A_243 : i32 to vector<16xi32>
      %parallel_loop3A_245 = arith.select %parallel_loop3A_241, %parallel_loop3A_244, %parallel_loop3A_231 : vector<16xi1>, vector<16xi32>
      %parallel_loop3A_246 = arith.constant 1 : i32
      %parallel_loop3A_247 = arith.constant 1 : i32
      %parallel_loop3A_248 = arith.index_cast %parallel_loop3A_246 : i32 to index
      %parallel_loop3A_249 = arith.index_cast %parallel_loop3A_134 : i32 to index
      %parallel_loop3A_250 = arith.index_cast %parallel_loop3A_247 : i32 to index
      %parallel_loop3A_251 = arith.index_cast %parallel_loop3A_136 : i32 to index
      %parallel_loop3A_252 = arith.constant 0 : index
      %parallel_loop3A_253 = tpu.vector_load %arg4[%parallel_loop3A_248, %parallel_loop3A_249, %parallel_loop3A_250, %parallel_loop3A_251, %parallel_loop3A_252] {strides = array<i32>} : memref<2x8x2x8x128xf32, #tpu.memory_space<vmem>>, vector<1x1x1x1x16xf32>,
      %parallel_loop3A_254 = vector.shape_cast %parallel_loop3A_253 : vector<1x1x1x1x16xf32> to vector<16xf32>
      %parallel_loop3A_255 = arith.cmpf olt, %parallel_loop3A_254, %parallel_loop3A_242 : vector<16xf32>
      %parallel_loop3A_256 = arith.select %parallel_loop3A_255, %parallel_loop3A_254, %parallel_loop3A_242 : vector<16xi1>, vector<16xf32>
      %parallel_loop3A_257 = arith.constant 8 : i32
      %parallel_loop3A_258 = vector.broadcast %parallel_loop3A_257 : i32 to vector<16xi32>
      %parallel_loop3A_259 = arith.select %parallel_loop3A_255, %parallel_loop3A_258, %parallel_loop3A_245 : vector<16xi1>, vector<16xi32>
      %parallel_loop3A_260 = arith.constant 1 : i32
      %parallel_loop3A_261 = arith.constant 1 : i32
      %parallel_loop3A_262 = arith.index_cast %parallel_loop3A_260 : i32 to index
      %parallel_loop3A_263 = arith.index_cast %parallel_loop3A_134 : i32 to index
      %parallel_loop3A_264 = arith.index_cast %parallel_loop3A_261 : i32 to index
      %parallel_loop3A_265 = arith.index_cast %parallel_loop3A_136 : i32 to index
      %parallel_loop3A_266 = arith.constant 16 : index
      %parallel_loop3A_267 = tpu.vector_load %arg4[%parallel_loop3A_262, %parallel_loop3A_263, %parallel_loop3A_264, %parallel_loop3A_265, %parallel_loop3A_266] {strides = array<i32>} : memref<2x8x2x8x128xf32, #tpu.memory_space<vmem>>, vector<1x1x1x1x16xf32>,
      %parallel_loop3A_268 = vector.shape_cast %parallel_loop3A_267 : vector<1x1x1x1x16xf32> to vector<16xf32>
      %parallel_loop3A_269 = arith.cmpf olt, %parallel_loop3A_268, %parallel_loop3A_256 : vector<16xf32>
      %parallel_loop3A_270 = arith.select %parallel_loop3A_269, %parallel_loop3A_268, %parallel_loop3A_256 : vector<16xi1>, vector<16xf32>
      %parallel_loop3A_271 = arith.constant 9 : i32
      %parallel_loop3A_272 = vector.broadcast %parallel_loop3A_271 : i32 to vector<16xi32>
      %parallel_loop3A_273 = arith.select %parallel_loop3A_269, %parallel_loop3A_272, %parallel_loop3A_259 : vector<16xi1>, vector<16xi32>
      %parallel_loop3A_274 = arith.constant 1 : i32
      %parallel_loop3A_275 = arith.constant 1 : i32
      %parallel_loop3A_276 = arith.index_cast %parallel_loop3A_274 : i32 to index
      %parallel_loop3A_277 = arith.index_cast %parallel_loop3A_134 : i32 to index
      %parallel_loop3A_278 = arith.index_cast %parallel_loop3A_275 : i32 to index
      %parallel_loop3A_279 = arith.index_cast %parallel_loop3A_136 : i32 to index
      %parallel_loop3A_280 = arith.constant 32 : index
      %parallel_loop3A_281 = tpu.vector_load %arg4[%parallel_loop3A_276, %parallel_loop3A_277, %parallel_loop3A_278, %parallel_loop3A_279, %parallel_loop3A_280] {strides = array<i32>} : memref<2x8x2x8x128xf32, #tpu.memory_space<vmem>>, vector<1x1x1x1x16xf32>,
      %parallel_loop3A_282 = vector.shape_cast %parallel_loop3A_281 : vector<1x1x1x1x16xf32> to vector<16xf32>
      %parallel_loop3A_283 = arith.cmpf olt, %parallel_loop3A_282, %parallel_loop3A_270 : vector<16xf32>
      %parallel_loop3A_284 = arith.select %parallel_loop3A_283, %parallel_loop3A_282, %parallel_loop3A_270 : vector<16xi1>, vector<16xf32>
      %parallel_loop3A_285 = arith.constant 10 : i32
      %parallel_loop3A_286 = vector.broadcast %parallel_loop3A_285 : i32 to vector<16xi32>
      %parallel_loop3A_287 = arith.select %parallel_loop3A_283, %parallel_loop3A_286, %parallel_loop3A_273 : vector<16xi1>, vector<16xi32>
      %parallel_loop3A_288 = arith.constant 1 : i32
      %parallel_loop3A_289 = arith.constant 1 : i32
      %parallel_loop3A_290 = arith.index_cast %parallel_loop3A_288 : i32 to index
      %parallel_loop3A_291 = arith.index_cast %parallel_loop3A_134 : i32 to index
      %parallel_loop3A_292 = arith.index_cast %parallel_loop3A_289 : i32 to index
      %parallel_loop3A_293 = arith.index_cast %parallel_loop3A_136 : i32 to index
      %parallel_loop3A_294 = arith.constant 48 : index
      %parallel_loop3A_295 = tpu.vector_load %arg4[%parallel_loop3A_290, %parallel_loop3A_291, %parallel_loop3A_292, %parallel_loop3A_293, %parallel_loop3A_294] {strides = array<i32>} : memref<2x8x2x8x128xf32, #tpu.memory_space<vmem>>, vector<1x1x1x1x16xf32>,
      %parallel_loop3A_296 = vector.shape_cast %parallel_loop3A_295 : vector<1x1x1x1x16xf32> to vector<16xf32>
      %parallel_loop3A_297 = arith.cmpf olt, %parallel_loop3A_296, %parallel_loop3A_284 : vector<16xf32>
      %parallel_loop3A_298 = arith.select %parallel_loop3A_297, %parallel_loop3A_296, %parallel_loop3A_284 : vector<16xi1>, vector<16xf32>
      %parallel_loop3A_299 = arith.constant 11 : i32
      %parallel_loop3A_300 = vector.broadcast %parallel_loop3A_299 : i32 to vector<16xi32>
      %parallel_loop3A_301 = arith.select %parallel_loop3A_297, %parallel_loop3A_300, %parallel_loop3A_287 : vector<16xi1>, vector<16xi32>
      %parallel_loop3A_302 = arith.constant 1 : i32
      %parallel_loop3A_303 = arith.constant 1 : i32
      %parallel_loop3A_304 = arith.index_cast %parallel_loop3A_302 : i32 to index
      %parallel_loop3A_305 = arith.index_cast %parallel_loop3A_134 : i32 to index
      %parallel_loop3A_306 = arith.index_cast %parallel_loop3A_303 : i32 to index
      %parallel_loop3A_307 = arith.index_cast %parallel_loop3A_136 : i32 to index
      %parallel_loop3A_308 = arith.constant 64 : index
      %parallel_loop3A_309 = tpu.vector_load %arg4[%parallel_loop3A_304, %parallel_loop3A_305, %parallel_loop3A_306, %parallel_loop3A_307, %parallel_loop3A_308] {strides = array<i32>} : memref<2x8x2x8x128xf32, #tpu.memory_space<vmem>>, vector<1x1x1x1x16xf32>,
      %parallel_loop3A_310 = vector.shape_cast %parallel_loop3A_309 : vector<1x1x1x1x16xf32> to vector<16xf32>
      %parallel_loop3A_311 = arith.cmpf olt, %parallel_loop3A_310, %parallel_loop3A_298 : vector<16xf32>
      %parallel_loop3A_312 = arith.select %parallel_loop3A_311, %parallel_loop3A_310, %parallel_loop3A_298 : vector<16xi1>, vector<16xf32>
      %parallel_loop3A_313 = arith.constant 12 : i32
      %parallel_loop3A_314 = vector.broadcast %parallel_loop3A_313 : i32 to vector<16xi32>
      %parallel_loop3A_315 = arith.select %parallel_loop3A_311, %parallel_loop3A_314, %parallel_loop3A_301 : vector<16xi1>, vector<16xi32>
      %parallel_loop3A_316 = arith.constant 1 : i32
      %parallel_loop3A_317 = arith.constant 1 : i32
      %parallel_loop3A_318 = arith.index_cast %parallel_loop3A_316 : i32 to index
      %parallel_loop3A_319 = arith.index_cast %parallel_loop3A_134 : i32 to index
      %parallel_loop3A_320 = arith.index_cast %parallel_loop3A_317 : i32 to index
      %parallel_loop3A_321 = arith.index_cast %parallel_loop3A_136 : i32 to index
      %parallel_loop3A_322 = arith.constant 80 : index
      %parallel_loop3A_323 = tpu.vector_load %arg4[%parallel_loop3A_318, %parallel_loop3A_319, %parallel_loop3A_320, %parallel_loop3A_321, %parallel_loop3A_322] {strides = array<i32>} : memref<2x8x2x8x128xf32, #tpu.memory_space<vmem>>, vector<1x1x1x1x16xf32>,
      %parallel_loop3A_324 = vector.shape_cast %parallel_loop3A_323 : vector<1x1x1x1x16xf32> to vector<16xf32>
      %parallel_loop3A_325 = arith.cmpf olt, %parallel_loop3A_324, %parallel_loop3A_312 : vector<16xf32>
      %parallel_loop3A_326 = arith.select %parallel_loop3A_325, %parallel_loop3A_324, %parallel_loop3A_312 : vector<16xi1>, vector<16xf32>
      %parallel_loop3A_327 = arith.constant 13 : i32
      %parallel_loop3A_328 = vector.broadcast %parallel_loop3A_327 : i32 to vector<16xi32>
      %parallel_loop3A_329 = arith.select %parallel_loop3A_325, %parallel_loop3A_328, %parallel_loop3A_315 : vector<16xi1>, vector<16xi32>
      %parallel_loop3A_330 = arith.constant 1 : i32
      %parallel_loop3A_331 = arith.constant 1 : i32
      %parallel_loop3A_332 = arith.index_cast %parallel_loop3A_330 : i32 to index
      %parallel_loop3A_333 = arith.index_cast %parallel_loop3A_134 : i32 to index
      %parallel_loop3A_334 = arith.index_cast %parallel_loop3A_331 : i32 to index
      %parallel_loop3A_335 = arith.index_cast %parallel_loop3A_136 : i32 to index
      %parallel_loop3A_336 = arith.constant 96 : index
      %parallel_loop3A_337 = tpu.vector_load %arg4[%parallel_loop3A_332, %parallel_loop3A_333, %parallel_loop3A_334, %parallel_loop3A_335, %parallel_loop3A_336] {strides = array<i32>} : memref<2x8x2x8x128xf32, #tpu.memory_space<vmem>>, vector<1x1x1x1x16xf32>,
      %parallel_loop3A_338 = vector.shape_cast %parallel_loop3A_337 : vector<1x1x1x1x16xf32> to vector<16xf32>
      %parallel_loop3A_339 = arith.cmpf olt, %parallel_loop3A_338, %parallel_loop3A_326 : vector<16xf32>
      %parallel_loop3A_340 = arith.select %parallel_loop3A_339, %parallel_loop3A_338, %parallel_loop3A_326 : vector<16xi1>, vector<16xf32>
      %parallel_loop3A_341 = arith.constant 14 : i32
      %parallel_loop3A_342 = vector.broadcast %parallel_loop3A_341 : i32 to vector<16xi32>
      %parallel_loop3A_343 = arith.select %parallel_loop3A_339, %parallel_loop3A_342, %parallel_loop3A_329 : vector<16xi1>, vector<16xi32>
      %parallel_loop3A_344 = arith.constant 1 : i32
      %parallel_loop3A_345 = arith.constant 1 : i32
      %parallel_loop3A_346 = arith.index_cast %parallel_loop3A_344 : i32 to index
      %parallel_loop3A_347 = arith.index_cast %parallel_loop3A_134 : i32 to index
      %parallel_loop3A_348 = arith.index_cast %parallel_loop3A_345 : i32 to index
      %parallel_loop3A_349 = arith.index_cast %parallel_loop3A_136 : i32 to index
      %parallel_loop3A_350 = arith.constant 112 : index
      %parallel_loop3A_351 = tpu.vector_load %arg4[%parallel_loop3A_346, %parallel_loop3A_347, %parallel_loop3A_348, %parallel_loop3A_349, %parallel_loop3A_350] {strides = array<i32>} : memref<2x8x2x8x128xf32, #tpu.memory_space<vmem>>, vector<1x1x1x1x16xf32>,
      %parallel_loop3A_352 = vector.shape_cast %parallel_loop3A_351 : vector<1x1x1x1x16xf32> to vector<16xf32>
      %parallel_loop3A_353 = arith.cmpf olt, %parallel_loop3A_352, %parallel_loop3A_340 : vector<16xf32>
      %parallel_loop3A_354 = arith.select %parallel_loop3A_353, %parallel_loop3A_352, %parallel_loop3A_340 : vector<16xi1>, vector<16xf32>
      %parallel_loop3A_355 = arith.constant 15 : i32
      %parallel_loop3A_356 = vector.broadcast %parallel_loop3A_355 : i32 to vector<16xi32>
      %parallel_loop3A_357 = arith.select %parallel_loop3A_353, %parallel_loop3A_356, %parallel_loop3A_343 : vector<16xi1>, vector<16xi32>
      %parallel_loop3A_358 = arith.constant 2 : i32
      %parallel_loop3A_359 = arith.muli %parallel_loop3A_358, %parallel_loop3A_132 : i32
      %parallel_loop3A_360 = arith.constant 1 : i32
      %parallel_loop3A_361 = arith.addi %parallel_loop3A_359, %parallel_loop3A_360 : i32
      %parallel_loop3A_362 = arith.constant 16 : i32
      %parallel_loop3A_363 = arith.muli %parallel_loop3A_361, %parallel_loop3A_362 : i32
      %parallel_loop3A_364 = arith.index_cast %parallel_loop3A_363 : i32 to index
      %parallel_loop3A_365 = tpu.vector_load %arg5[%parallel_loop3A_364] {strides = array<i32>} : memref<2048xi32, #tpu.memory_space<vmem>>, vector<16xi32>,
      %parallel_loop3A_366 = vector.shape_cast %parallel_loop3A_365 : vector<16xi32> to vector<16xi32>
      %parallel_loop3A_367 = vector.shape_cast %parallel_loop3A_357 : vector<16xi32> to vector<16xi32>
      tpu.vector_store %arg5[%parallel_loop3A_364], %parallel_loop3A_367 {strides = array<i32>} : memref<2048xi32, #tpu.memory_space<vmem>>, vector<16xi32>,
    } {sc.loop_unroll_factor = 2 : i64, sc.parallel_access}
    %mul3A_130 = arith.constant 16 : i32
    %mul3A_131 = arith.muli %mul3A_2, %mul3A_130 : i32
    "tpu.region"() ({
      %run_scoped3A = tpu.sem_alloc : memref<!tpu.dma_semaphore, #tpu.memory_space<semaphore_mem>>
      %dma_start3A_132 = tpu.memref_slice %arg3[%mul3A_131] : memref<65536xi32, #tpu.memory_space<hbm>> -> memref<2048xi32, #tpu.memory_space<hbm>>
      %dma_start3A_133 = tpu.memref_slice %arg3[%mul3A_131] : memref<65536xi32, #tpu.memory_space<hbm>> -> memref<2048xi32, #tpu.memory_space<hbm>>
      tpu.enqueue_dma source(%arg5 : memref<2048xi32, #tpu.memory_space<vmem>>) target(%dma_start3A_133 : memref<2048xi32, #tpu.memory_space<hbm>>) target_semaphore(%run_scoped3A : memref<!tpu.dma_semaphore, #tpu.memory_space<semaphore_mem>>)
      %dma_wait3A_134 = tpu.memref_slice %arg3[%mul3A_131] : memref<65536xi32, #tpu.memory_space<hbm>> -> memref<2048xi32, #tpu.memory_space<hbm>>
      %dma_wait3A_135 = tpu.memref_slice %arg3[%mul3A_131] : memref<65536xi32, #tpu.memory_space<hbm>> -> memref<2048xi32, #tpu.memory_space<hbm>>
      tpu.wait_dma2 semaphore(%run_scoped3A : memref<!tpu.dma_semaphore, #tpu.memory_space<semaphore_mem>>) src(%arg5 : memref<2048xi32, #tpu.memory_space<vmem>>) dst(%dma_wait3A_135 : memref<2048xi32, #tpu.memory_space<hbm>>)
      tpu.yield
    }) : () -> ()
    return
  }
}

module attributes {stable_mosaic.version = 14 : i64} {
  func.func @_scores_body(%arg0: i32, %arg1: memref<1024x128xf32, #tpu.memory_space<vmem>>, %arg2: memref<16x16x64xf32, #tpu.memory_space<vmem>>, %arg3: memref<2x128x2x8x128xf32, #tpu.memory_space<vmem>>) attributes {dimension_semantics = [#tpu.dimension_semantics<arbitrary>], iteration_bounds = array<i64: 2>, scalar_prefetch = 0 : i64, scratch_operands = 0 : i64, tpu.core_type = #tpu.core_type<tc>, window_params = [{transform_indices = @transform_0, window_bounds = array<i64: 1024, 128>}, {pipeline_mode = #tpu.pipeline_mode<synchronous>, transform_indices = @transform_1, window_bounds = array<i64: 16, 16, 64>}, {transform_indices = @transform_2, window_bounds = array<i64: 2, 128, 2, 8, 128>}]} {
    %get3A = arith.constant 0 : index
    %get3A_0 = arith.constant 0 : index
    %get3A_1 = arith.constant 0 : index
    %get3A_2 = vector.load %arg2[%get3A, %get3A_0, %get3A_1] : memref<16x16x64xf32, #tpu.memory_space<vmem>>, vector<16x16x64xf32>
    %slice3A = vector.extract_strided_slice %get3A_2 {offsets = [0, 0, 0], sizes = [16, 1, 64], strides = [1, 1, 1]} : vector<16x16x64xf32> to vector<16x1x64xf32>
    %squeeze3A = vector.shape_cast %slice3A : vector<16x1x64xf32> to vector<16x64xf32>
    %slice3A_3 = vector.extract_strided_slice %get3A_2 {offsets = [0, 1, 0], sizes = [16, 1, 64], strides = [1, 1, 1]} : vector<16x16x64xf32> to vector<16x1x64xf32>
    %squeeze3A_4 = vector.shape_cast %slice3A_3 : vector<16x1x64xf32> to vector<16x64xf32>
    %slice3A_5 = vector.extract_strided_slice %get3A_2 {offsets = [0, 2, 0], sizes = [16, 1, 64], strides = [1, 1, 1]} : vector<16x16x64xf32> to vector<16x1x64xf32>
    %squeeze3A_6 = vector.shape_cast %slice3A_5 : vector<16x1x64xf32> to vector<16x64xf32>
    %slice3A_7 = vector.extract_strided_slice %get3A_2 {offsets = [0, 3, 0], sizes = [16, 1, 64], strides = [1, 1, 1]} : vector<16x16x64xf32> to vector<16x1x64xf32>
    %squeeze3A_8 = vector.shape_cast %slice3A_7 : vector<16x1x64xf32> to vector<16x64xf32>
    %slice3A_9 = vector.extract_strided_slice %get3A_2 {offsets = [0, 4, 0], sizes = [16, 1, 64], strides = [1, 1, 1]} : vector<16x16x64xf32> to vector<16x1x64xf32>
    %squeeze3A_10 = vector.shape_cast %slice3A_9 : vector<16x1x64xf32> to vector<16x64xf32>
    %slice3A_11 = vector.extract_strided_slice %get3A_2 {offsets = [0, 5, 0], sizes = [16, 1, 64], strides = [1, 1, 1]} : vector<16x16x64xf32> to vector<16x1x64xf32>
    %squeeze3A_12 = vector.shape_cast %slice3A_11 : vector<16x1x64xf32> to vector<16x64xf32>
    %slice3A_13 = vector.extract_strided_slice %get3A_2 {offsets = [0, 6, 0], sizes = [16, 1, 64], strides = [1, 1, 1]} : vector<16x16x64xf32> to vector<16x1x64xf32>
    %squeeze3A_14 = vector.shape_cast %slice3A_13 : vector<16x1x64xf32> to vector<16x64xf32>
    %slice3A_15 = vector.extract_strided_slice %get3A_2 {offsets = [0, 7, 0], sizes = [16, 1, 64], strides = [1, 1, 1]} : vector<16x16x64xf32> to vector<16x1x64xf32>
    %squeeze3A_16 = vector.shape_cast %slice3A_15 : vector<16x1x64xf32> to vector<16x64xf32>
    %slice3A_17 = vector.extract_strided_slice %get3A_2 {offsets = [0, 8, 0], sizes = [16, 1, 64], strides = [1, 1, 1]} : vector<16x16x64xf32> to vector<16x1x64xf32>
    %squeeze3A_18 = vector.shape_cast %slice3A_17 : vector<16x1x64xf32> to vector<16x64xf32>
    %slice3A_19 = vector.extract_strided_slice %get3A_2 {offsets = [0, 9, 0], sizes = [16, 1, 64], strides = [1, 1, 1]} : vector<16x16x64xf32> to vector<16x1x64xf32>
    %squeeze3A_20 = vector.shape_cast %slice3A_19 : vector<16x1x64xf32> to vector<16x64xf32>
    %slice3A_21 = vector.extract_strided_slice %get3A_2 {offsets = [0, 10, 0], sizes = [16, 1, 64], strides = [1, 1, 1]} : vector<16x16x64xf32> to vector<16x1x64xf32>
    %squeeze3A_22 = vector.shape_cast %slice3A_21 : vector<16x1x64xf32> to vector<16x64xf32>
    %slice3A_23 = vector.extract_strided_slice %get3A_2 {offsets = [0, 11, 0], sizes = [16, 1, 64], strides = [1, 1, 1]} : vector<16x16x64xf32> to vector<16x1x64xf32>
    %squeeze3A_24 = vector.shape_cast %slice3A_23 : vector<16x1x64xf32> to vector<16x64xf32>
    %slice3A_25 = vector.extract_strided_slice %get3A_2 {offsets = [0, 12, 0], sizes = [16, 1, 64], strides = [1, 1, 1]} : vector<16x16x64xf32> to vector<16x1x64xf32>
    %squeeze3A_26 = vector.shape_cast %slice3A_25 : vector<16x1x64xf32> to vector<16x64xf32>
    %slice3A_27 = vector.extract_strided_slice %get3A_2 {offsets = [0, 13, 0], sizes = [16, 1, 64], strides = [1, 1, 1]} : vector<16x16x64xf32> to vector<16x1x64xf32>
    %squeeze3A_28 = vector.shape_cast %slice3A_27 : vector<16x1x64xf32> to vector<16x64xf32>
    %slice3A_29 = vector.extract_strided_slice %get3A_2 {offsets = [0, 14, 0], sizes = [16, 1, 64], strides = [1, 1, 1]} : vector<16x16x64xf32> to vector<16x1x64xf32>
    %squeeze3A_30 = vector.shape_cast %slice3A_29 : vector<16x1x64xf32> to vector<16x64xf32>
    %slice3A_31 = vector.extract_strided_slice %get3A_2 {offsets = [0, 15, 0], sizes = [16, 1, 64], strides = [1, 1, 1]} : vector<16x16x64xf32> to vector<16x1x64xf32>
    %squeeze3A_32 = vector.shape_cast %slice3A_31 : vector<16x1x64xf32> to vector<16x64xf32>
    %concatenate3A = tpu.concatenate %squeeze3A, %squeeze3A_4, %squeeze3A_6, %squeeze3A_8, %squeeze3A_10, %squeeze3A_12, %squeeze3A_14, %squeeze3A_16, %squeeze3A_18, %squeeze3A_20, %squeeze3A_22, %squeeze3A_24, %squeeze3A_26, %squeeze3A_28, %squeeze3A_30, %squeeze3A_32 in 0 : vector<16x64xf32>, vector<16x64xf32>, vector<16x64xf32>, vector<16x64xf32>, vector<16x64xf32>, vector<16x64xf32>, vector<16x64xf32>, vector<16x64xf32>, vector<16x64xf32>, vector<16x64xf32>, vector<16x64xf32>, vector<16x64xf32>, vector<16x64xf32>, vector<16x64xf32>, vector<16x64xf32>, vector<16x64xf32> -> vector<256x64xf32>
    %broadcast_in_dim3A = arith.constant 1.000000e+00 : f32
    %broadcast_in_dim3A_33 = vector.broadcast %broadcast_in_dim3A : f32 to vector<8x64xf32>
    %mul3A = arith.mulf %concatenate3A, %concatenate3A : vector<256x64xf32>
    %dot_general3A = arith.constant dense<0.000000e+00> : vector<8x256xf32>
    %dot_general3A_34 = tpu.matmul %broadcast_in_dim3A_33, %mul3A, %dot_general3A {dimension_numbers = #tpu.dot_dimension_numbers<[1], [1], [0], [0], [0, 0, 1, 0], [], []>, precision = #tpu.contract_precision<fp32>, transpose_lhs_hint = false} : vector<8x64xf32>, vector<256x64xf32>, vector<8x256xf32> -> vector<8x256xf32>
    %slice3A_35 = vector.extract_strided_slice %dot_general3A_34 {offsets = [0, 0], sizes = [1, 256], strides = [1, 1]} : vector<8x256xf32> to vector<1x256xf32>
    %get3A_36 = arith.constant 0 : index
    %get3A_37 = arith.constant 0 : index
    %get3A_38 = vector.load %arg1[%get3A_36, %get3A_37] : memref<1024x128xf32, #tpu.memory_space<vmem>>, vector<1024x128xf32>
    %slice3A_39 = vector.extract_strided_slice %get3A_38 {offsets = [0, 0], sizes = [1024, 64], strides = [1, 1]} : vector<1024x128xf32> to vector<1024x64xf32>
    %dot_general3A_40 = arith.constant dense<0.000000e+00> : vector<1024x256xf32>
    %dot_general3A_41 = tpu.matmul %slice3A_39, %concatenate3A, %dot_general3A_40 {dimension_numbers = #tpu.dot_dimension_numbers<[1], [1], [0], [0], [0, 0, 1, 0], [], []>, precision = #tpu.contract_precision<fp32>, transpose_lhs_hint = false} : vector<1024x64xf32>, vector<256x64xf32>, vector<1024x256xf32> -> vector<1024x256xf32>
    %mul3A_42 = arith.constant 2.000000e+00 : f32
    %mul3A_43 = vector.broadcast %mul3A_42 : f32 to vector<1024x256xf32>
    %mul3A_44 = arith.mulf %mul3A_43, %dot_general3A_41 : vector<1024x256xf32>
    %sub3A = vector.broadcast %slice3A_35 : vector<1x256xf32> to vector<1024x256xf32>
    %sub3A_45 = arith.subf %sub3A, %mul3A_44 : vector<1024x256xf32>
    %slice3A_46 = vector.extract_strided_slice %sub3A_45 {offsets = [0, 0], sizes = [1024, 128], strides = [1, 1]} : vector<1024x256xf32> to vector<1024x128xf32>
    %reshape3A = vector.shape_cast %slice3A_46 : vector<1024x128xf32> to vector<128x8x128xf32>
    %swap3A = arith.constant 0 : index
    %swap3A_47 = arith.constant 0 : index
    %swap3A_48 = arith.constant 0 : index
    %swap3A_49 = arith.constant 0 : index
    %swap3A_50 = arith.constant 0 : index
    %swap3A_51 = vector.load %arg3[%swap3A, %swap3A_47, %swap3A_48, %swap3A_49, %swap3A_50] : memref<2x128x2x8x128xf32, #tpu.memory_space<vmem>>, vector<1x128x1x8x128xf32>
    %swap3A_52 = vector.shape_cast %swap3A_51 : vector<1x128x1x8x128xf32> to vector<128x8x128xf32>
    %swap3A_53 = vector.shape_cast %reshape3A : vector<128x8x128xf32> to vector<1x128x1x8x128xf32>
    tpu.vector_store %arg3[%swap3A, %swap3A_47, %swap3A_48, %swap3A_49, %swap3A_50], %swap3A_53 {strides = array<i32>} : memref<2x128x2x8x128xf32, #tpu.memory_space<vmem>>, vector<1x128x1x8x128xf32>,
    %slice3A_54 = vector.extract_strided_slice %sub3A_45 {offsets = [0, 128], sizes = [1024, 128], strides = [1, 1]} : vector<1024x256xf32> to vector<1024x128xf32>
    %reshape3A_55 = vector.shape_cast %slice3A_54 : vector<1024x128xf32> to vector<128x8x128xf32>
    %swap3A_56 = arith.constant 0 : index
    %swap3A_57 = arith.constant 0 : index
    %swap3A_58 = arith.constant 1 : index
    %swap3A_59 = arith.constant 0 : index
    %swap3A_60 = arith.constant 0 : index
    %swap3A_61 = vector.load %arg3[%swap3A_56, %swap3A_57, %swap3A_58, %swap3A_59, %swap3A_60] : memref<2x128x2x8x128xf32, #tpu.memory_space<vmem>>, vector<1x128x1x8x128xf32>
    %swap3A_62 = vector.shape_cast %swap3A_61 : vector<1x128x1x8x128xf32> to vector<128x8x128xf32>
    %swap3A_63 = vector.shape_cast %reshape3A_55 : vector<128x8x128xf32> to vector<1x128x1x8x128xf32>
    tpu.vector_store %arg3[%swap3A_56, %swap3A_57, %swap3A_58, %swap3A_59, %swap3A_60], %swap3A_63 {strides = array<i32>} : memref<2x128x2x8x128xf32, #tpu.memory_space<vmem>>, vector<1x128x1x8x128xf32>,
    %slice3A_64 = vector.extract_strided_slice %get3A_38 {offsets = [0, 64], sizes = [1024, 64], strides = [1, 1]} : vector<1024x128xf32> to vector<1024x64xf32>
    %dot_general3A_65 = arith.constant dense<0.000000e+00> : vector<1024x256xf32>
    %dot_general3A_66 = tpu.matmul %slice3A_64, %concatenate3A, %dot_general3A_65 {dimension_numbers = #tpu.dot_dimension_numbers<[1], [1], [0], [0], [0, 0, 1, 0], [], []>, precision = #tpu.contract_precision<fp32>, transpose_lhs_hint = false} : vector<1024x64xf32>, vector<256x64xf32>, vector<1024x256xf32> -> vector<1024x256xf32>
    %mul3A_67 = arith.constant 2.000000e+00 : f32
    %mul3A_68 = vector.broadcast %mul3A_67 : f32 to vector<1024x256xf32>
    %mul3A_69 = arith.mulf %mul3A_68, %dot_general3A_66 : vector<1024x256xf32>
    %sub3A_70 = vector.broadcast %slice3A_35 : vector<1x256xf32> to vector<1024x256xf32>
    %sub3A_71 = arith.subf %sub3A_70, %mul3A_69 : vector<1024x256xf32>
    %slice3A_72 = vector.extract_strided_slice %sub3A_71 {offsets = [0, 0], sizes = [1024, 128], strides = [1, 1]} : vector<1024x256xf32> to vector<1024x128xf32>
    %reshape3A_73 = vector.shape_cast %slice3A_72 : vector<1024x128xf32> to vector<128x8x128xf32>
    %swap3A_74 = arith.constant 1 : index
    %swap3A_75 = arith.constant 0 : index
    %swap3A_76 = arith.constant 0 : index
    %swap3A_77 = arith.constant 0 : index
    %swap3A_78 = arith.constant 0 : index
    %swap3A_79 = vector.load %arg3[%swap3A_74, %swap3A_75, %swap3A_76, %swap3A_77, %swap3A_78] : memref<2x128x2x8x128xf32, #tpu.memory_space<vmem>>, vector<1x128x1x8x128xf32>
    %swap3A_80 = vector.shape_cast %swap3A_79 : vector<1x128x1x8x128xf32> to vector<128x8x128xf32>
    %swap3A_81 = vector.shape_cast %reshape3A_73 : vector<128x8x128xf32> to vector<1x128x1x8x128xf32>
    tpu.vector_store %arg3[%swap3A_74, %swap3A_75, %swap3A_76, %swap3A_77, %swap3A_78], %swap3A_81 {strides = array<i32>} : memref<2x128x2x8x128xf32, #tpu.memory_space<vmem>>, vector<1x128x1x8x128xf32>,
    %slice3A_82 = vector.extract_strided_slice %sub3A_71 {offsets = [0, 128], sizes = [1024, 128], strides = [1, 1]} : vector<1024x256xf32> to vector<1024x128xf32>
    %reshape3A_83 = vector.shape_cast %slice3A_82 : vector<1024x128xf32> to vector<128x8x128xf32>
    %swap3A_84 = arith.constant 1 : index
    %swap3A_85 = arith.constant 0 : index
    %swap3A_86 = arith.constant 1 : index
    %swap3A_87 = arith.constant 0 : index
    %swap3A_88 = arith.constant 0 : index
    %swap3A_89 = vector.load %arg3[%swap3A_84, %swap3A_85, %swap3A_86, %swap3A_87, %swap3A_88] : memref<2x128x2x8x128xf32, #tpu.memory_space<vmem>>, vector<1x128x1x8x128xf32>
    %swap3A_90 = vector.shape_cast %swap3A_89 : vector<1x128x1x8x128xf32> to vector<128x8x128xf32>
    %swap3A_91 = vector.shape_cast %reshape3A_83 : vector<128x8x128xf32> to vector<1x128x1x8x128xf32>
    tpu.vector_store %arg3[%swap3A_84, %swap3A_85, %swap3A_86, %swap3A_87, %swap3A_88], %swap3A_91 {strides = array<i32>} : memref<2x128x2x8x128xf32, #tpu.memory_space<vmem>>, vector<1x128x1x8x128xf32>,
    return
  }
  func.func @transform_0(%arg0: i32) -> (i32, i32) {
    %c0_i32 = arith.constant 0 : i32
    %c0_i32_0 = arith.constant 0 : i32
    return %arg0, %c0_i32 : i32, i32
  }
  func.func @transform_1(%arg0: i32) -> (i32, i32, i32) {
    %c0_i32 = arith.constant 0 : i32
    %c0_i32_0 = arith.constant 0 : i32
    %c0_i32_1 = arith.constant 0 : i32
    %c0_i32_2 = arith.constant 0 : i32
    return %c0_i32, %c0_i32_0, %c0_i32_1 : i32, i32, i32
  }
  func.func @transform_2(%arg0: i32) -> (i32, i32, i32, i32, i32) {
    %c0_i32 = arith.constant 0 : i32
    %c0_i32_0 = arith.constant 0 : i32
    %c0_i32_1 = arith.constant 0 : i32
    %c0_i32_2 = arith.constant 0 : i32
    %c0_i32_3 = arith.constant 0 : i32
    return %c0_i32, %arg0, %c0_i32_0, %c0_i32_1, %c0_i32_2 : i32, i32, i32, i32, i32
  }
}

</mosaic_0001>

<sc_bundles>
// kernel: kernel.4.cloned.1.call-start
scs
__scs_entry_jumppad:
0x0: {  	(pc) =	sbr.rel $0x88, $3  }
0x1: {  	(tag) =	ssettag $0x0;
	lr =	simm.s32 $0x1  }
0x2: {  	[smem:$0x3F9F] =	sst lr;
	_ =	strace $0xD0000000  }
0x3: {  	_ = 	snop  }
0x4: {  	_ = 	snop  }
0x5: {  	_ = 	snop  }
0x6: {  	_ = 	snop  }
0x7: {  	_ = 	snop  }
__scs_overlays_trampoline_lowered:
0x8: {  	[smem:$0x3FAE] =	sst s0  }
0x9: {  	[smem:$0x3FAF] =	sst s1  }
0xa: {  	[smem:$0x3FB0] =	sst s2  }
0xb: {  	[smem:$0x3FB1] =	sst s3  }
0xc: {  	[smem:$0x3FB2] =	sst s4  }
0xd: {  	[smem:$0x3FB3] =	sst s5  }
0xe: {  	[smem:$0x3FB4] =	sst s6  }
0xf: {  	[smem:$0x3FB5] =	sst s7  }
0x10: {  	[smem:$0x3FB6] =	sst s8  }
0x11: {  	[smem:$0x3FB7] =	sst s9;
	s0 =	simm.s32 @!p0 $0x0  }
0x12: {  	s1 =	sld [smem:$0x3F9D];
	s0 =	simm.s32 @p0 $0x1  }
0x13: {  	[smem:$0x3FB8] =	sst s0;
	s0 =	simm.s32 @!p1 $0x0  }
0x14: {  	s2 =	sld [smem:$0x3F9C];
	s0 =	simm.s32 @p1 $0x1  }
0x15: {  	[smem:$0x3FB9] =	sst s0;
	s0 =	simm.s32 @!p2 $0x0  }
0x16: {  	s3 =	sld [smem:$0x3FDB];
	s0 =	simm.s32 @p2 $0x1  }
0x17: {  	s4 =	simm.s32 $0x1BF5;
	[smem:$0x3FBB] =	sst s0  }
0x18: {  	s0 =	sld [smem:$0x3F9E];
	_ =	swait.ge [sflag:s4], $0x0  }
0x19: {  	s7 =	sld [smem:$0x3F9F]  }
0x1a: {  	s8 =	sadd.s32 $0xFFFFE003, lr  }
0x1b: {  	s9 =	sadd.s32 $0xFFFFFEF7, lr;
	s5 =	simm.s32 $0xFFFFFFFF;
	p2 =	slt.u32 s8, $0xFFFFF086  }
0x1c: {  	p1 =	slt.u32 s9, $0xF7A;
	s5 =	simm.s32 @!p2 $0x0  }
0x1d: {  	s5 =	simm.s32 @p1 $0x1;
	p0 =	seq.s32 s7, s2  }
0x1e: {  	s7 =	smul.u32 @!p0 $0xF7A, s2;
	p2 =	seq.s32 @!p0 s5, $0x0  }
0x1f: {  	s9 =	smul.u32 $0xF7A, s1;
	s8 =	simm.s32 @!p0 $0x1BF5;
	p2 =	por !p2, p0  }
0x20: {  	[sflag:s8] =	ssyncset.s32 @!p0 $0xFFFFF086;
	s6 =	sadd.s32 @!p0 s3, s7;
	s7 =	simm.s32 @!p0 $0x108  }
0x21: {  	s3 =	sadd.s32 s3, s9;
	s6 =	sadd.s32 @!p0 $0x88, s6;
	s7 =	simm.s32 @p2 $0x1082  }
0x22: {  	[simem:s7], [sflag:s8] =	dma.local @!p0 [hbm:s6], $0xF7A  }
0x23: {  	s9 =	sor.u32 $0xD0000000, s2;
	s6 =	simm.s32 $0x108;
	_ =	swait.ge @!p0 [sflag:s8], $0x0  }
0x24: {  	s3 =	sadd.s32 $0x88, s3;
	s6 =	simm.s32 @!p1 $0x1082;
	[sflag:s4] =	ssyncset.s32 $0xFFFFF086  }
0x25: {  	[simem:s6], [sflag:s4] =	dma.local [hbm:s3], $0xF7A  }
0x26: {  	[smem:$0x3F9F] =	sst s1;
	(tag) =	ssettag s2;
	_ =	strace s9  }
0x27: {  	s1 =	sld [smem:$0x3FAF]  }
0x28: {  	s2 =	sld [smem:$0x3FB0]  }
0x29: {  	s4 =	sld [smem:$0x3FB2]  }
0x2a: {  	p0 =	seq.s32 s5, $0x0;
	s5 =	sld [smem:$0x3FB3]  }
0x2b: {  	s6 =	sld [smem:$0x3FB4]  }
0x2c: {  	s7 =	sld [smem:$0x3FB5]  }
0x2d: {  	s3 =	simm.s32 $0x108;
	s8 =	sld [smem:$0x3FB6]  }
0x2e: {  	s3 =	simm.s32 @!p0 $0x1082;
	s9 =	sld [smem:$0x3FB7]  }
0x2f: {  	lr =	sadd.s32 s0, s3;
	s0 =	sld [smem:$0x3FAE]  }
0x30: {  	s3 =	sld [smem:$0x3FB1]  }
0x31: {  	[smem:$0x3FBA] =	sst s10  }
0x32: {  	s10 =	sld [smem:$0x3FB8];
	_ =	sdelay $0x3  }
0x33: {  	p0 =	seq.s32 s10, $0x1;
	s10 =	sld [smem:$0x3FBA];
	_ =	sdelay $0x3  }
0x34: {  	[smem:$0x3FBA] =	sst s10  }
0x35: {  	s10 =	sld [smem:$0x3FB9];
	_ =	sdelay $0x3  }
0x36: {  	p1 =	seq.s32 s10, $0x1;
	s10 =	sld [smem:$0x3FBA];
	_ =	sdelay $0x3  }
0x37: {  	[smem:$0x3FBA] =	sst s10  }
0x38: {  	s10 =	sld [smem:$0x3FBB]  }
0x39: {  	_ = 	snop;
	(pc) =	sbr.ind lr, $3  }
0x3a: {  	_ = 	snop  }
0x3b: {  	_ = 	snop  }
0x3c: {  	p2 =	seq.s32 s10, $0x1;
	s10 =	sld [smem:$0x3FBA]  }
0x3d: {  	_ =	shalt  }
0x3e: {  	_ =	shalt  }
0x3f: {  	_ =	shalt  }
0x40: {  	_ =	shalt  }
0x41: {  	_ =	shalt  }
0x42: {  	_ =	shalt  }
0x43: {  	_ =	shalt  }
0x44: {  	_ =	shalt  }
0x45: {  	_ =	shalt  }
0x46: {  	_ =	shalt  }
0x47: {  	_ =	shalt  }
0x48: {  	_ =	shalt  }
0x49: {  	_ =	shalt  }
0x4a: {  	_ =	shalt  }
0x4b: {  	_ =	shalt  }
0x4c: {  	_ =	shalt  }
0x4d: {  	_ =	shalt  }
0x4e: {  	_ =	shalt  }
0x4f: {  	_ =	shalt  }
0x50: {  	_ =	shalt  }
0x51: {  	_ =	shalt  }
0x52: {  	_ =	shalt  }
0x53: {  	_ =	shalt  }
0x54: {  	_ =	shalt  }
0x55: {  	_ =	shalt  }
0x56: {  	_ =	shalt  }
0x57: {  	_ =	shalt  }
0x58: {  	_ =	shalt  }
0x59: {  	_ =	shalt  }
0x5a: {  	_ =	shalt  }
0x5b: {  	_ =	shalt  }
0x5c: {  	_ =	shalt  }
0x5d: {  	_ =	shalt  }
0x5e: {  	_ =	shalt  }
0x5f: {  	_ =	shalt  }
0x60: {  	_ =	shalt  }
0x61: {  	_ =	shalt  }
0x62: {  	_ =	shalt  }
0x63: {  	_ =	shalt  }
0x64: {  	_ =	shalt  }
0x65: {  	_ =	shalt  }
0x66: {  	_ =	shalt  }
0x67: {  	_ =	shalt  }
0x68: {  	_ =	shalt  }
0x69: {  	_ =	shalt  }
0x6a: {  	_ =	shalt  }
0x6b: {  	_ =	shalt  }
0x6c: {  	_ =	shalt  }
0x6d: {  	_ =	shalt  }
0x6e: {  	_ =	shalt  }
0x6f: {  	_ =	shalt  }
0x70: {  	_ =	shalt  }
0x71: {  	_ =	shalt  }
0x72: {  	_ =	shalt  }
0x73: {  	_ =	shalt  }
0x74: {  	_ =	shalt  }
0x75: {  	_ =	shalt  }
0x76: {  	_ =	shalt  }
0x77: {  	_ =	shalt  }
0x78: {  	_ =	shalt  }
0x79: {  	_ =	shalt  }
0x7a: {  	_ =	shalt  }
0x7b: {  	_ =	shalt  }
0x7c: {  	_ =	shalt  }
0x7d: {  	_ =	shalt  }
0x7e: {  	_ =	shalt  }
0x7f: {  	_ =	shalt  }
0x80: {  	_ =	shalt  }
0x81: {  	_ =	shalt  }
0x82: {  	_ =	shalt  }
0x83: {  	_ =	shalt  }
0x84: {  	_ =	shalt  }
0x85: {  	_ =	shalt  }
0x86: {  	_ =	shalt  }
0x87: {  	_ =	shalt  }
.Lfunc_end0:
.L_simem_size_0:
called_computation_lowered:
.L_overlay_start_0:
0x88: {  	s2 =	sld [smem:$0x3FD9]  }
0x89: {  	s3 =	sld [smem:$0x3FFE];
	_ =	sdelay $0x1  }
0x8a: {  	s1 =	srdreg.scid  }
0x8b: {  	s0 =	sand.u32 $0x1, s1  }
0x8c: {  	s17 =	sshll.u32 s0, $0xA;
	s2 =	sadd.s32 s3, s2  }
0x8d: {  	s2 =	sadd.s32 s2, s17  }
0x8e: {  	[smem:$0x3FC6] =	sst s2  }
0x8f: {  	_ = 	snop  }
0x90: {  	s2 =	sld [smem:$0x3FD0];
	(tm) =	ssettm $0x1  }
0x91: {  	s18 =	sld [smem:$0x3FFB];
	_ =	sdelay $0x3  }
0x92: {  	_ =	strace s18  }
0x93: {  	s3 =	sld [smem:$0x3FFC];
	_ =	sdelay $0x3  }
0x94: {  	_ =	strace s3  }
0x95: {  	s3 =	sld [smem:$0x3FFD];
	_ =	sdelay $0x3  }
0x96: {  	_ =	strace s3  }
0x97: {  	_ =	strace $0x8FFFFFFF  }
0x98: {  	s19 =	sld [smem:$0x3FDB];
	_ =	sdelay $0x1  }
0x99: {  	s4 =	simm.s32 $_scs_section_size  }
0x9a: {  	s5 =	simm.s32 $_size__tile_overlayer_lowered;
	s6 =	simm.s32 $_tile_overlayer_lowered  }
0x9b: {  	s22 =	simm.s32 $0x1BFF;
	s21 =	sshll.u32 s6, $0x1;
	s3 =	sadd.s32 s4, s19  }
0x9c: {  	s7 =	simm.s32 $0x0;
	s20 =	sshll.u32 s5, $0x1;
	s5 =	sadd.s32 s21, s3  }
0x9d: {  	[timem:s7], [sflag:s22] =	dma.local [hbm:s5], s20  }
0x9e: {  	_ =	swait.ge [sflag:s22], s20  }
0x9f: {  	s4 =	ssub.s32 $0x0, s20;
	[sflag:s22] =	ssyncset.done $0x0  }
0xa0: {  	[sflag:s22] =	ssyncadd.s32 s4;
	_ =	sdelay $0x1  }
0xa1: {  	s23 =	simm.s32 $0x1B8B  }
0xa2: {  	_ =	swait.ge [sflag:s23], $0x1  }
0xa3: {  	[sflag:s23] =	ssyncset.done $0x0  }
0xa4: {  	s25 =	simm.s32 $0x1B8E;
	s24 =	sld [smem:$0x3FFE];
	[sflag:s23] =	ssyncadd.s32 $0xFFFFFFFF  }
0xa5: {  	s26 =	simm.s32 $execute0_lowered;
	[smem:$0x3FD2] =	sst s25  }
0xa6: {  	s5 =	sshll.u32 s26, $0x1;
	_ =	strace $0x80000046;
	[dreg:$0x1] =	wrdreg $0xFFFFFFFF  }
0xa7: {  	s28 =	simm.s32 $_size_execute0_lowered;
	s3 =	sadd.s32 s3, s5;
	[dreg:$0x0] =	wrdreg $0x0  }
0xa8: {  	s5 =	sshll.u32 s28, $0x1;
	[dreg:$0x2] =	wrdreg s3  }
0xa9: {  	[dreg:$0x3] =	wrdreg s5  }
0xaa: {  	[dreg:$0x4] =	wrdreg $0xC0  }
0xab: {  	_ =	task [dreg:s7], $0x5FFFF  }
0xac: {  	[dreg:$0x1] =	wrdreg $0xFFFFFFFF  }
0xad: {  	[dreg:$0x0] =	wrdreg $0x60  }
0xae: {  	[dreg:$0x2] =	wrdreg s24  }
0xaf: {  	[dreg:$0x3] =	wrdreg s2  }
0xb0: {  	[dreg:$0x4] =	wrdreg $0x9  }
0xb1: {  	_ =	task.clear_ibuf [dreg:s7], $0x5FFFF;
	_ =	strace $0x90000046  }
0xb2: {  	s29 =	simm.s32 $0x9;
	_ =	strace $0x80000048  }
0xb3: {  	_ =	swait.ge [sflag:s29], $0x1  }
0xb4: {  	[sflag:s29] =	ssyncadd.s32 $0xFFFFFFFF  }
0xb5: {  	_ =	strace $0x90000048  }
0xb6: {  	_ =	sfence  }
0xb7: {  	s30 =	sld [smem:$0x0];
	_ =	sdelay $0x2  }
0xb8: {  	s31 =	sshll.u32 s1, $0xD;
	s1 =	sshrl.u32 s1, $0x2  }
0xb9: {  	s3 =	sand.u32 $0x4000, s31;
	s1 =	sadd.s32 s1, s30  }
0xba: {  	s0 =	sor.u32 s3, s0;
	s1 =	sshll.u32 s1, $0x11  }
0xbb: {  	s0 =	sor.u32 s1, s0  }
0xbc: {  	s0 =	sadd.s32 $0x8F2B, s0  }
0xbd: {  	[sflag:s0] =	ssyncadd.remote.s32 $0x1  }
0xbe: {  	_ =	sfence.sel $0xFFFF  }
0xbf: {  	[dreg:$0x0] =	wrdreg $0xFFFFFFFF;
	(pc) =	sbr.abs _section_cstart, $3  }
0xc0: {  	[dreg:$0x1] =	wrdreg $0xFFFFFFFF  }
0xc1: {  	_ =	task.clear_ibuf [dreg:s7], $0x2FFFF;
	_ =	strace $0x9FFFFFFF  }
0xc2: {  	(tm) =	ssettm $0x7FFFFFFF  }
0xc3: {  	_ =	shalt  }
tec
execute0_lowered:
.L_overlay_start_1:
0x0: {  	(tag) =	ssettag $0x1  }
0x1: {  	s3 =	rddreg [dreg:$0x0]  }
0x2: {  	s1 =	srdreg.scid;
	s0 =	stileid.u32  }
0x3: {  	s5 =	rddreg [dreg:$0x1];
	s2 =	simm.s32 $0x0;
	s9 =	simm.s32 $0x2  }
0x4: {  	s10 =	simm.s32 $0x8000;
	s11 =	simm.s32 $0x3;
	s12 =	simm.s32 $0x0  }
0x5: {  	s4 =	sand.u32 $0x1, s1;
	s6 =	sshll.u32 s0, $0x1;
	s1 =	rddreg [dreg:$0x2]  }
0x6: {  	[smem:$0x7FF] =	sst s2;
	s6 =	sor.u32 s4, s6;
	s4 =	ssub.s32 $0x2, s4  }
0x7: {  	_ =	strace $0x80000047;
	s7 =	sshll.u32 s6, $0xB;
	s31 =	sshrl.u32 s4, $0x1  }
0x8: {  	s6 =	sshll.u32 s6, $0x8;
	s7 =	sadd.s32 s7, s3;
	s8 =	ssub.s32 s4, s31  }
0x9: {  	s5 =	sadd.s32 s5, s6;
	s3 =	sadd.s32 $0x800, s7;
	s4 =	sadd.s32 $0x10800, s7  }
0xa: {  	v0 =	vimm.s32 $0x0;
	s6 =	smax.u32 s8, $0x1;
	s7 =	simm.s32 $0x4000;
	s8 =	simm.s32 $0x1  }
.LBB2_1:
0xb: {  	[tilespmem:s2], [sflag:$0x1] =	stream.linear.gather [hbm4b:s3+s2], $0x4000, $0x38;
	[tilespmem:$0x8800] =	vst v63  }
0xc: {  	_ = 	snop  }
0xd: {  	[tilespmem:s7], [sflag:$0x2] =	stream.linear.gather [hbm4b:s4+s2], $0x4000, $0x38;
	[tilespmem:$0x8800] =	vst v63  }
0xe: {  	s13 =	simm.s32 $0x80;
	_ =	swait.ge [sflag:s8], $0x4000  }
0xf: {  	s15 =	sand.u32 $0x3800, s2;
	s13 =	sand.u32 $0x380, s13;
	[sflag:s8] =	ssyncset.done $0x0  }
0x10: {  	s14 =	sor.u32 s13, s15;
	[sflag:s8] =	ssyncadd.s32 $0xFFFFC000  }
0x11: {  	s31 =	sand.u32 $0x300, s2;
	v1 =	vld [tilespmem:s14+$0x0]  }
0x12: {  	s13 =	sor.u32 s31, s15;
	v2 =	vld [tilespmem:s14+$0x10]  }
0x13: {  	v3 =	vld [tilespmem:s13+$0x0]  }
0x14: {  	v4 =	vld [tilespmem:s14+$0x20]  }
0x15: {  	v5 =	vld [tilespmem:s13+$0x10]  }
0x16: {  	v6 =	vld [tilespmem:s14+$0x30]  }
0x17: {  	v7 =	vld [tilespmem:s13+$0x20];
	vm2 =	vlt.f32 v2, v1  }
0x18: {  	v1 =	vsel vm2, v2, v1;
	v2 =	vld [tilespmem:s14+$0x40]  }
0x19: {  	v8 =	vld [tilespmem:s13+$0x30];
	vm1 =	vlt.f32 v4, v1  }
0x1a: {  	vm0 =	vlt.f32 v5, v3;
	v1 =	vsel vm1, v4, v1;
	v4 =	vld [tilespmem:s14+$0x50]  }
0x1b: {  	v3 =	vsel vm0, v5, v3;
	v5 =	vld [tilespmem:s13+$0x40];
	vm3 =	vlt.f32 v6, v1  }
0x1c: {  	vm4 =	vlt.f32 v7, v3;
	v1 =	vsel vm3, v6, v1;
	v6 =	vld [tilespmem:s14+$0x60]  }
0x1d: {  	v3 =	vsel vm4, v7, v3;
	v7 =	vld [tilespmem:s13+$0x50];
	vm5 =	vlt.f32 v2, v1  }
0x1e: {  	vm8 =	vlt.f32 v8, v3;
	v1 =	vsel vm5, v2, v1;
	v2 =	vld [tilespmem:s14+$0x70]  }
0x1f: {  	v3 =	vsel vm8, v8, v3;
	v8 =	vld [tilespmem:s13+$0x60];
	vm6 =	vlt.f32 v4, v1  }
0x20: {  	v9 =	vsel vm0, $0x1, v0;
	vm0 =	vlt.f32 v5, v3;
	v1 =	vsel vm6, v4, v1;
	v4 =	vld [tilespmem:s14+$0x400]  }
0x21: {  	v9 =	vsel vm4, $0x2, v9;
	v3 =	vsel vm0, v5, v3;
	v5 =	vld [tilespmem:s13+$0x70];
	vm7 =	vlt.f32 v6, v1  }
0x22: {  	v9 =	vsel vm8, $0x3, v9;
	vm4 =	vlt.f32 v7, v3;
	v1 =	vsel vm7, v6, v1;
	v6 =	vld [tilespmem:s14+$0x410]  }
0x23: {  	v10 =	vld [tilespmem:s13+$0x400];
	v9 =	vsel vm0, $0x4, v9;
	v3 =	vsel vm4, v7, v3;
	vm8 =	vlt.f32 v2, v1  }
0x24: {  	v7 =	vsel vm4, $0x5, v9;
	v9 =	vld [tilespmem:s14+$0x420];
	vm0 =	vlt.f32 v8, v3;
	v2 =	vsel vm8, v2, v1  }
0x25: {  	v3 =	vsel vm0, v8, v3;
	v8 =	vld [tilespmem:s13+$0x410];
	v1 =	vsel vm0, $0x6, v7;
	vm9 =	vlt.f32 v4, v2  }
0x26: {  	vm0 =	vlt.f32 v5, v3;
	v7 =	vsel vm2, $0x1, v0;
	v2 =	vsel vm9, v4, v2;
	v4 =	vld [tilespmem:s14+$0x430]  }
0x27: {  	v11 =	vld [tilespmem:s13+$0x420];
	v3 =	vsel vm0, v5, v3;
	v5 =	vsel vm1, $0x2, v7;
	vm4 =	vlt.f32 v6, v2  }
0x28: {  	v7 =	vld [tilespmem:s14+$0x440];
	vm1 =	vlt.f32 v10, v3;
	v5 =	vsel vm3, $0x3, v5;
	v2 =	vsel vm4, v6, v2  }
0x29: {  	v3 =	vsel vm1, v10, v3;
	v5 =	vsel vm5, $0x4, v5;
	v6 =	vld [tilespmem:s13+$0x430];
	vm5 =	vlt.f32 v9, v2  }
0x2a: {  	vm2 =	vlt.f32 v8, v3;
	v10 =	vsel vm6, $0x5, v5;
	v5 =	vld [tilespmem:s14+$0x450];
	v9 =	vsel vm5, v9, v2  }
0x2b: {  	v3 =	vsel vm2, v8, v3;
	v8 =	vsel vm7, $0x6, v10;
	v2 =	vld [tilespmem:s13+$0x440];
	vm6 =	vlt.f32 v4, v9  }
0x2c: {  	s16 =	simm.s32 $0x0;
	vm3 =	vlt.f32 v11, v3;
	v10 =	vsel vm8, $0x7, v8;
	v9 =	vsel vm6, v4, v9;
	v4 =	vld [tilespmem:s14+$0x460]  }
0x2d: {  	s17 =	simm.s32 $0x100;
	s18 =	simm.s32 $0x0;
	s15 =	simm.s32 $0x0;
	v8 =	vsel vm3, v11, v3;
	v3 =	vld [tilespmem:s13+$0x450];
	v10 =	vsel vm9, $0x8, v10;
	vm8 =	vlt.f32 v7, v9  }
.LBB2_2:
0x2e: {  	s19 =	sand.u32 $0x300, s17;
	s20 =	sadd.s32 $0x80, s17;
	vm7 =	vlt.f32 v6, v8;
	v10 =	vsel vm4, $0x9, v10;
	v7 =	vsel vm8, v7, v9;
	v9 =	vld [tilespmem:s14+$0x470];
	s18 =	sadd.s32 $0x200, s18  }
0x2f: {  	s16 =	sadd.s32 $0x2, s16;
	s21 =	sand.u32 $0x3800, s18;
	s14 =	sand.u32 $0x380, s20;
	v6 =	vsel vm7, v6, v8;
	v8 =	vld [tilespmem:s13+$0x460];
	v10 =	vsel vm5, $0xA, v10;
	vm4 =	vlt.f32 v5, v7  }
0x30: {  	v1 =	vsel vm0, $0x7, v1;
	p0 =	slt.u32 s16, $0x3E;
	s14 =	sor.u32 s14, s21;
	v11 =	vld [tilespmem:s13+$0x470];
	s13 =	sor.u32 s19, s21;
	v10 =	vsel vm6, $0xB, v10;
	v5 =	vsel vm4, v5, v7  }
0x31: {  	vm0 =	vlt.f32 v2, v6;
	v7 =	vld [tilespmem:s14+$0x0];
	v10 =	vsel vm8, $0xC, v10;
	vm5 =	vlt.f32 v4, v5  }
0x32: {  	v1 =	vsel vm1, $0x8, v1;
	v12 =	vld [tilespmem:s14+$0x10];
	v10 =	vsel vm4, $0xD, v10;
	v4 =	vsel vm5, v4, v5  }
0x33: {  	v2 =	vsel vm0, v2, v6;
	v5 =	vld [tilespmem:s13+$0x0];
	v6 =	vsel vm5, $0xE, v10;
	vm1 =	vlt.f32 v9, v4  }
0x34: {  	v1 =	vsel vm2, $0x9, v1;
	s19 =	sshra.s32 s15, $0x2;
	s15 =	smov.u32 s17;
	vm2 =	vlt.f32 v3, v2;
	v4 =	vld [tilespmem:s14+$0x20];
	v6 =	vsel vm1, $0xF, v6  }
0x35: {  	v1 =	vsel vm3, $0xA, v1;
	v2 =	vsel vm2, v3, v2;
	v9 =	vld [tilespmem:s13+$0x10];
	[tilespmem:s19+$0x8020] =	vst v6  }
0x36: {  	v1 =	vsel vm7, $0xB, v1;
	vm3 =	vlt.f32 v8, v2;
	v3 =	vld [tilespmem:s14+$0x30]  }
0x37: {  	v1 =	vsel vm0, $0xC, v1;
	v2 =	vsel vm3, v8, v2;
	v6 =	vld [tilespmem:s13+$0x20];
	vm1 =	vlt.f32 v12, v7  }
0x38: {  	v1 =	vsel vm2, $0xD, v1;
	vm0 =	vlt.f32 v11, v2;
	v7 =	vsel vm1, v12, v7;
	v8 =	vld [tilespmem:s14+$0x40]  }
0x39: {  	v1 =	vsel vm3, $0xE, v1;
	v2 =	vld [tilespmem:s13+$0x30];
	vm2 =	vlt.f32 v4, v7  }
0x3a: {  	v1 =	vsel vm0, $0xF, v1;
	vm3 =	vlt.f32 v9, v5;
	v4 =	vsel vm2, v4, v7;
	v7 =	vld [tilespmem:s14+$0x50]  }
0x3b: {  	v5 =	vsel vm3, v9, v5;
	v9 =	vsel vm3, $0x1, v0;
	v10 =	vld [tilespmem:s13+$0x40];
	vm3 =	vlt.f32 v3, v4;
	[tilespmem:s19+$0x8000] =	vst v1  }
0x3c: {  	vm0 =	vlt.f32 v6, v5;
	v1 =	vsel vm3, v3, v4;
	v3 =	vld [tilespmem:s14+$0x60]  }
0x3d: {  	v4 =	vsel vm0, v6, v5;
	v5 =	vsel vm0, $0x2, v9;
	v6 =	vld [tilespmem:s13+$0x50];
	vm5 =	vlt.f32 v8, v1  }
0x3e: {  	vm0 =	vlt.f32 v2, v4;
	v1 =	vsel vm5, v8, v1;
	v8 =	vld [tilespmem:s14+$0x70]  }
0x3f: {  	v2 =	vsel vm0, v2, v4;
	v4 =	vsel vm0, $0x3, v5;
	v5 =	vld [tilespmem:s13+$0x60];
	vm6 =	vlt.f32 v7, v1  }
0x40: {  	vm0 =	vlt.f32 v10, v2;
	v1 =	vsel vm6, v7, v1;
	v7 =	vld [tilespmem:s14+$0x400]  }
0x41: {  	v2 =	vsel vm0, v10, v2;
	v4 =	vsel vm0, $0x4, v4;
	v9 =	vld [tilespmem:s13+$0x70];
	vm7 =	vlt.f32 v3, v1  }
0x42: {  	vm0 =	vlt.f32 v6, v2;
	v1 =	vsel vm7, v3, v1;
	v3 =	vld [tilespmem:s14+$0x410]  }
0x43: {  	v2 =	vsel vm0, v6, v2;
	v4 =	vsel vm0, $0x5, v4;
	v6 =	vld [tilespmem:s13+$0x400];
	vm8 =	vlt.f32 v8, v1  }
0x44: {  	vm0 =	vlt.f32 v5, v2;
	v8 =	vsel vm8, v8, v1;
	v10 =	vld [tilespmem:s14+$0x420]  }
0x45: {  	v2 =	vsel vm0, v5, v2;
	v1 =	vsel vm0, $0x6, v4;
	v4 =	vld [tilespmem:s13+$0x410];
	vm9 =	vlt.f32 v7, v8  }
0x46: {  	v5 =	vsel vm1, $0x1, v0;
	vm0 =	vlt.f32 v9, v2;
	v7 =	vsel vm9, v7, v8;
	v8 =	vld [tilespmem:s14+$0x430]  }
0x47: {  	v5 =	vsel vm2, $0x2, v5;
	v2 =	vsel vm0, v9, v2;
	v11 =	vld [tilespmem:s13+$0x420];
	vm4 =	vlt.f32 v3, v7  }
0x48: {  	v5 =	vsel vm3, $0x3, v5;
	vm1 =	vlt.f32 v6, v2;
	v3 =	vsel vm4, v3, v7;
	v7 =	vld [tilespmem:s14+$0x440]  }
.Ltmp0:
0x49: {  	v5 =	vsel vm5, $0x4, v5;
	v2 =	vsel vm1, v6, v2;
	v6 =	vld [tilespmem:s13+$0x430];
	vm5 =	vlt.f32 v10, v3;
	(pc) =	sbr.rel @p0 .LBB2_2-.Ltmp0, $4  }
0x4a: {  	v9 =	vsel vm6, $0x5, v5;
	vm2 =	vlt.f32 v4, v2;
	v3 =	vsel vm5, v10, v3;
	v5 =	vld [tilespmem:s14+$0x450]  }
0x4b: {  	v10 =	vsel vm2, v4, v2;
	v2 =	vld [tilespmem:s13+$0x440];
	v4 =	vsel vm7, $0x6, v9;
	vm6 =	vlt.f32 v8, v3  }
0x4c: {  	vm3 =	vlt.f32 v11, v10;
	v12 =	vsel vm8, $0x7, v4;
	v9 =	vsel vm6, v8, v3;
	v4 =	vld [tilespmem:s14+$0x460]  }
0x4d: {  	s17 =	sadd.s32 $0x100, s17;
	v8 =	vsel vm3, v11, v10;
	v3 =	vld [tilespmem:s13+$0x450];
	v10 =	vsel vm9, $0x8, v12;
	vm8 =	vlt.f32 v7, v9  }
0x4e: {  	vm7 =	vlt.f32 v6, v8;
	v10 =	vsel vm4, $0x9, v10;
	v7 =	vsel vm8, v7, v9  }
0x4f: {  	v1 =	vsel vm0, $0x7, v1;
	v6 =	vsel vm7, v6, v8;
	v8 =	vsel vm5, $0xA, v10  }
0x50: {  	v9 =	vld [tilespmem:s13+$0x460];
	vm4 =	vlt.f32 v5, v7;
	v1 =	vsel vm1, $0x8, v1;
	v8 =	vsel vm6, $0xB, v8  }
0x51: {  	v5 =	vsel vm4, v5, v7;
	v7 =	vld [tilespmem:s14+$0x470];
	vm0 =	vlt.f32 v2, v6;
	v1 =	vsel vm2, $0x9, v1  }
0x52: {  	v10 =	vld [tilespmem:s13+$0x470];
	v8 =	vsel vm8, $0xC, v8;
	vm1 =	vlt.f32 v4, v5;
	v2 =	vsel vm0, v2, v6  }
0x53: {  	v1 =	vsel vm3, $0xA, v1;
	v6 =	vsel vm4, $0xD, v8;
	vm2 =	vlt.f32 v3, v2  }
0x54: {  	v4 =	vsel vm1, v4, v5;
	v1 =	vsel vm7, $0xB, v1;
	v2 =	vsel vm2, v3, v2  }
0x55: {  	v3 =	vsel vm1, $0xE, v6;
	v1 =	vsel vm0, $0xC, v1;
	vm1 =	vlt.f32 v9, v2  }
0x56: {  	v1 =	vsel vm2, $0xD, v1;
	vm0 =	vlt.f32 v7, v4;
	v2 =	vsel vm1, v9, v2  }
0x57: {  	s29 =	sshra.s32 s15, $0x2;
	v1 =	vsel vm1, $0xE, v1;
	v3 =	vsel vm0, $0xF, v3;
	vm0 =	vlt.f32 v10, v2  }
0x58: {  	[tilespmem:s29+$0x8020] =	vst v3;
	v1 =	vsel vm0, $0xF, v1  }
0x59: {  	[tilespmem:s29+$0x8000] =	vst v1  }
0x5a: {  	s30 =	simm.s32 $0x80;
	s14 =	simm.s32 $0x0;
	_ =	swait.ge [sflag:s9], $0x4000  }
0x5b: {  	s13 =	sand.u32 $0x380, s30;
	s16 =	sand.u32 $0x3800, s14;
	[sflag:s9] =	ssyncset.done $0x0  }
0x5c: {  	s15 =	sor.u32 s16, s13;
	[sflag:s9] =	ssyncadd.s32 $0xFFFFC000  }
0x5d: {  	s31 =	sand.u32 $0x300, s14;
	v1 =	vld [tilespmem:s15+$0x4000]  }
0x5e: {  	s13 =	sor.u32 s31, s16;
	v2 =	vld [tilespmem:s15+$0x4010]  }
0x5f: {  	v3 =	vld [tilespmem:s13+$0x4000]  }
0x60: {  	v4 =	vld [tilespmem:s15+$0x4020]  }
0x61: {  	v5 =	vld [tilespmem:s13+$0x4010]  }
0x62: {  	v6 =	vld [tilespmem:s15+$0x4030]  }
0x63: {  	v7 =	vld [tilespmem:s13+$0x4020];
	vm2 =	vlt.f32 v2, v1  }
0x64: {  	v1 =	vsel vm2, v2, v1;
	v2 =	vld [tilespmem:s15+$0x4040]  }
0x65: {  	v8 =	vld [tilespmem:s13+$0x4030];
	vm1 =	vlt.f32 v4, v1  }
0x66: {  	vm0 =	vlt.f32 v5, v3;
	v1 =	vsel vm1, v4, v1;
	v4 =	vld [tilespmem:s15+$0x4050]  }
0x67: {  	v3 =	vsel vm0, v5, v3;
	v5 =	vld [tilespmem:s13+$0x4040];
	vm3 =	vlt.f32 v6, v1  }
0x68: {  	vm4 =	vlt.f32 v7, v3;
	v1 =	vsel vm3, v6, v1;
	v6 =	vld [tilespmem:s15+$0x4060]  }
0x69: {  	v3 =	vsel vm4, v7, v3;
	v7 =	vld [tilespmem:s13+$0x4050];
	vm5 =	vlt.f32 v2, v1  }
0x6a: {  	vm8 =	vlt.f32 v8, v3;
	v1 =	vsel vm5, v2, v1;
	v2 =	vld [tilespmem:s15+$0x4070]  }
0x6b: {  	v3 =	vsel vm8, v8, v3;
	v8 =	vld [tilespmem:s13+$0x4060];
	vm6 =	vlt.f32 v4, v1  }
0x6c: {  	v9 =	vsel vm0, $0x1, v0;
	vm0 =	vlt.f32 v5, v3;
	v1 =	vsel vm6, v4, v1;
	v4 =	vld [tilespmem:s15+$0x4400]  }
0x6d: {  	v9 =	vsel vm4, $0x2, v9;
	v3 =	vsel vm0, v5, v3;
	v5 =	vld [tilespmem:s13+$0x4070];
	vm7 =	vlt.f32 v6, v1  }
0x6e: {  	v9 =	vsel vm8, $0x3, v9;
	vm4 =	vlt.f32 v7, v3;
	v1 =	vsel vm7, v6, v1;
	v6 =	vld [tilespmem:s15+$0x4410]  }
0x6f: {  	v10 =	vld [tilespmem:s13+$0x4400];
	v9 =	vsel vm0, $0x4, v9;
	v3 =	vsel vm4, v7, v3;
	vm8 =	vlt.f32 v2, v1  }
0x70: {  	v7 =	vsel vm4, $0x5, v9;
	v9 =	vld [tilespmem:s15+$0x4420];
	vm0 =	vlt.f32 v8, v3;
	v2 =	vsel vm8, v2, v1  }
0x71: {  	v3 =	vsel vm0, v8, v3;
	v8 =	vld [tilespmem:s13+$0x4410];
	v1 =	vsel vm0, $0x6, v7;
	vm9 =	vlt.f32 v4, v2  }
0x72: {  	vm0 =	vlt.f32 v5, v3;
	v7 =	vsel vm2, $0x1, v0;
	v2 =	vsel vm9, v4, v2;
	v4 =	vld [tilespmem:s15+$0x4430]  }
0x73: {  	v11 =	vld [tilespmem:s13+$0x4420];
	v3 =	vsel vm0, v5, v3;
	v5 =	vsel vm1, $0x2, v7;
	vm4 =	vlt.f32 v6, v2  }
0x74: {  	v7 =	vld [tilespmem:s15+$0x4440];
	vm1 =	vlt.f32 v10, v3;
	v5 =	vsel vm3, $0x3, v5;
	v2 =	vsel vm4, v6, v2  }
0x75: {  	v3 =	vsel vm1, v10, v3;
	v5 =	vsel vm5, $0x4, v5;
	v6 =	vld [tilespmem:s13+$0x4430];
	vm5 =	vlt.f32 v9, v2  }
0x76: {  	vm2 =	vlt.f32 v8, v3;
	v10 =	vsel vm6, $0x5, v5;
	v5 =	vld [tilespmem:s15+$0x4450];
	v9 =	vsel vm5, v9, v2  }
0x77: {  	v3 =	vsel vm2, v8, v3;
	v8 =	vsel vm7, $0x6, v10;
	v2 =	vld [tilespmem:s13+$0x4440];
	vm6 =	vlt.f32 v4, v9  }
0x78: {  	vm3 =	vlt.f32 v11, v3;
	v10 =	vsel vm8, $0x7, v8;
	v9 =	vsel vm6, v4, v9;
	v4 =	vld [tilespmem:s15+$0x4460]  }
0x79: {  	s17 =	simm.s32 $0x0;
	s18 =	simm.s32 $0x100;
	s16 =	simm.s32 $0x0;
	v8 =	vsel vm3, v11, v3;
	v3 =	vld [tilespmem:s13+$0x4450];
	v10 =	vsel vm9, $0x8, v10;
	vm8 =	vlt.f32 v7, v9  }
.LBB2_4:
0x7a: {  	s19 =	sand.u32 $0x300, s18;
	s20 =	sadd.s32 $0x80, s18;
	vm7 =	vlt.f32 v6, v8;
	v10 =	vsel vm4, $0x9, v10;
	v7 =	vsel vm8, v7, v9;
	v9 =	vld [tilespmem:s15+$0x4470];
	s14 =	sadd.s32 $0x200, s14  }
0x7b: {  	s17 =	sadd.s32 $0x2, s17;
	s21 =	sand.u32 $0x3800, s14;
	s15 =	sand.u32 $0x380, s20;
	v6 =	vsel vm7, v6, v8;
	v8 =	vld [tilespmem:s13+$0x4460];
	v10 =	vsel vm5, $0xA, v10;
	vm4 =	vlt.f32 v5, v7  }
0x7c: {  	v1 =	vsel vm0, $0x7, v1;
	p0 =	slt.u32 s17, $0x3E;
	s15 =	sor.u32 s21, s15;
	v11 =	vld [tilespmem:s13+$0x4470];
	s13 =	sor.u32 s19, s21;
	v10 =	vsel vm6, $0xB, v10;
	v5 =	vsel vm4, v5, v7  }
0x7d: {  	vm0 =	vlt.f32 v2, v6;
	v7 =	vld [tilespmem:s15+$0x4000];
	v10 =	vsel vm8, $0xC, v10;
	vm5 =	vlt.f32 v4, v5  }
0x7e: {  	v1 =	vsel vm1, $0x8, v1;
	v12 =	vld [tilespmem:s15+$0x4010];
	v10 =	vsel vm4, $0xD, v10;
	v4 =	vsel vm5, v4, v5  }
0x7f: {  	v2 =	vsel vm0, v2, v6;
	v5 =	vld [tilespmem:s13+$0x4000];
	v6 =	vsel vm5, $0xE, v10;
	vm1 =	vlt.f32 v9, v4  }
0x80: {  	v1 =	vsel vm2, $0x9, v1;
	s19 =	sshra.s32 s16, $0x2;
	s16 =	smov.u32 s18;
	vm2 =	vlt.f32 v3, v2;
	v4 =	vld [tilespmem:s15+$0x4020];
	v6 =	vsel vm1, $0xF, v6  }
0x81: {  	v1 =	vsel vm3, $0xA, v1;
	v2 =	vsel vm2, v3, v2;
	v9 =	vld [tilespmem:s13+$0x4010];
	[tilespmem:s19+$0x8030] =	vst v6  }
0x82: {  	v1 =	vsel vm7, $0xB, v1;
	vm3 =	vlt.f32 v8, v2;
	v3 =	vld [tilespmem:s15+$0x4030]  }
0x83: {  	v1 =	vsel vm0, $0xC, v1;
	v2 =	vsel vm3, v8, v2;
	v6 =	vld [tilespmem:s13+$0x4020];
	vm1 =	vlt.f32 v12, v7  }
0x84: {  	v1 =	vsel vm2, $0xD, v1;
	vm0 =	vlt.f32 v11, v2;
	v7 =	vsel vm1, v12, v7;
	v8 =	vld [tilespmem:s15+$0x4040]  }
0x85: {  	v1 =	vsel vm3, $0xE, v1;
	v2 =	vld [tilespmem:s13+$0x4030];
	vm2 =	vlt.f32 v4, v7  }
0x86: {  	v1 =	vsel vm0, $0xF, v1;
	vm3 =	vlt.f32 v9, v5;
	v4 =	vsel vm2, v4, v7;
	v7 =	vld [tilespmem:s15+$0x4050]  }
0x87: {  	v5 =	vsel vm3, v9, v5;
	v9 =	vsel vm3, $0x1, v0;
	v10 =	vld [tilespmem:s13+$0x4040];
	vm3 =	vlt.f32 v3, v4;
	[tilespmem:s19+$0x8010] =	vst v1  }
0x88: {  	vm0 =	vlt.f32 v6, v5;
	v1 =	vsel vm3, v3, v4;
	v3 =	vld [tilespmem:s15+$0x4060]  }
0x89: {  	v4 =	vsel vm0, v6, v5;
	v5 =	vsel vm0, $0x2, v9;
	v6 =	vld [tilespmem:s13+$0x4050];
	vm5 =	vlt.f32 v8, v1  }
0x8a: {  	vm0 =	vlt.f32 v2, v4;
	v1 =	vsel vm5, v8, v1;
	v8 =	vld [tilespmem:s15+$0x4070]  }
0x8b: {  	v2 =	vsel vm0, v2, v4;
	v4 =	vsel vm0, $0x3, v5;
	v5 =	vld [tilespmem:s13+$0x4060];
	vm6 =	vlt.f32 v7, v1  }
0x8c: {  	vm0 =	vlt.f32 v10, v2;
	v1 =	vsel vm6, v7, v1;
	v7 =	vld [tilespmem:s15+$0x4400]  }
0x8d: {  	v2 =	vsel vm0, v10, v2;
	v4 =	vsel vm0, $0x4, v4;
	v9 =	vld [tilespmem:s13+$0x4070];
	vm7 =	vlt.f32 v3, v1  }
0x8e: {  	vm0 =	vlt.f32 v6, v2;
	v1 =	vsel vm7, v3, v1;
	v3 =	vld [tilespmem:s15+$0x4410]  }
0x8f: {  	v2 =	vsel vm0, v6, v2;
	v4 =	vsel vm0, $0x5, v4;
	v6 =	vld [tilespmem:s13+$0x4400];
	vm8 =	vlt.f32 v8, v1  }
0x90: {  	vm0 =	vlt.f32 v5, v2;
	v8 =	vsel vm8, v8, v1;
	v10 =	vld [tilespmem:s15+$0x4420]  }
0x91: {  	v2 =	vsel vm0, v5, v2;
	v1 =	vsel vm0, $0x6, v4;
	v4 =	vld [tilespmem:s13+$0x4410];
	vm9 =	vlt.f32 v7, v8  }
0x92: {  	v5 =	vsel vm1, $0x1, v0;
	vm0 =	vlt.f32 v9, v2;
	v7 =	vsel vm9, v7, v8;
	v8 =	vld [tilespmem:s15+$0x4430]  }
0x93: {  	v5 =	vsel vm2, $0x2, v5;
	v2 =	vsel vm0, v9, v2;
	v11 =	vld [tilespmem:s13+$0x4420];
	vm4 =	vlt.f32 v3, v7  }
0x94: {  	v5 =	vsel vm3, $0x3, v5;
	vm1 =	vlt.f32 v6, v2;
	v3 =	vsel vm4, v3, v7;
	v7 =	vld [tilespmem:s15+$0x4440]  }
.Ltmp1:
0x95: {  	v5 =	vsel vm5, $0x4, v5;
	v2 =	vsel vm1, v6, v2;
	v6 =	vld [tilespmem:s13+$0x4430];
	vm5 =	vlt.f32 v10, v3;
	(pc) =	sbr.rel @p0 .LBB2_4-.Ltmp1, $4  }
0x96: {  	v9 =	vsel vm6, $0x5, v5;
	vm2 =	vlt.f32 v4, v2;
	v3 =	vsel vm5, v10, v3;
	v5 =	vld [tilespmem:s15+$0x4450]  }
0x97: {  	v10 =	vsel vm2, v4, v2;
	v2 =	vld [tilespmem:s13+$0x4440];
	v4 =	vsel vm7, $0x6, v9;
	vm6 =	vlt.f32 v8, v3  }
0x98: {  	vm3 =	vlt.f32 v11, v10;
	v12 =	vsel vm8, $0x7, v4;
	v9 =	vsel vm6, v8, v3;
	v4 =	vld [tilespmem:s15+$0x4460]  }
0x99: {  	s18 =	sadd.s32 $0x100, s18;
	v8 =	vsel vm3, v11, v10;
	v3 =	vld [tilespmem:s13+$0x4450];
	v10 =	vsel vm9, $0x8, v12;
	vm8 =	vlt.f32 v7, v9  }
0x9a: {  	vm7 =	vlt.f32 v6, v8;
	v10 =	vsel vm4, $0x9, v10;
	v7 =	vsel vm8, v7, v9  }
0x9b: {  	v1 =	vsel vm0, $0x7, v1;
	v6 =	vsel vm7, v6, v8;
	v59 =	vsel vm5, $0xA, v10  }
0x9c: {  	v60 =	vld [tilespmem:s13+$0x4460];
	vm9 =	vlt.f32 v5, v7;
	v1 =	vsel vm1, $0x8, v1;
	v8 =	vsel vm6, $0xB, v59  }
0x9d: {  	v61 =	vld [tilespmem:s15+$0x4470];
	v5 =	vsel vm9, v5, v7;
	vm10 =	vlt.f32 v2, v6;
	v1 =	vsel vm2, $0x9, v1  }
0x9e: {  	v62 =	vld [tilespmem:s13+$0x4470];
	v8 =	vsel vm8, $0xC, v8;
	vm11 =	vlt.f32 v4, v5;
	v2 =	vsel vm10, v2, v6  }
0x9f: {  	v1 =	vsel vm3, $0xA, v1;
	v63 =	vsel vm9, $0xD, v8;
	vm12 =	vlt.f32 v3, v2  }
0xa0: {  	v4 =	vsel vm11, v4, v5;
	v1 =	vsel vm7, $0xB, v1;
	v2 =	vsel vm12, v3, v2  }
0xa1: {  	v3 =	vsel vm11, $0xE, v63;
	v1 =	vsel vm10, $0xC, v1;
	vm13 =	vlt.f32 v60, v2  }
0xa2: {  	vm14 =	vlt.f32 v61, v4;
	v1 =	vsel vm12, $0xD, v1;
	v2 =	vsel vm13, v60, v2  }
0xa3: {  	s31 =	sshra.s32 s16, $0x2;
	s12 =	sadd.s32 $0x1, s12;
	v3 =	vsel vm14, $0xF, v3;
	v1 =	vsel vm13, $0xE, v1;
	vm15 =	vlt.f32 v62, v2  }
0xa4: {  	p0 =	sne.s32 s12, s6;
	[tilespmem:s31+$0x8030] =	vst v3;
	v1 =	vsel vm15, $0xF, v1  }
.Ltmp2:
0xa5: {  	[tilespmem:s31+$0x8010] =	vst v1;
	(pc) =	sbr.rel @p0 .LBB2_1-.Ltmp2, $4  }
0xa6: {  	[hbm4b:s5+s2] =	stream.linear.scatter [tilespmem:s10], [sflag:$0x3], $0x800, $0x38;
	[tilespmem:$0x8800] =	vst v63  }
0xa7: {  	_ =	swait.ge [sflag:s11], $0x800  }
0xa8: {  	[sflag:s11] =	ssyncset.done $0x0  }
0xa9: {  	[sflag:s11] =	ssyncadd.s32 $0xFFFFF800  }
0xaa: {  	_ =	sfence.sel $0x180000  }
0xab: {  	[bflag:$0x0] =	sbarrier.arrive $0xFFFF  }
0xac: {  	p0 =	sne.s32 s0, $0x0;
	_ =	strace $0x90000047  }
0xad: {  	s0 =	sadd.s32 @!p0 $0x100000, s1;
	[bflag:$0x2] =	sbarrier.arrive $0xFFFF  }
0xae: {  	[sflag:s0] =	ssyncadd.tile.s32 @!p0 $0x1;
	_ =	shalt  }
.Lfunc_end2:
_tile_overlayer_lowered:
.L_overlay_start_2:
0xaf: {  	(tag) =	ssettag $0x2  }
0xb0: {  	s0 =	rddreg [dreg:$0x0];
	s2 =	stileid.u32  }
0xb1: {  	s1 =	rddreg [dreg:$0x1];
	p0 =	sne.s32 s2, $0x0  }
0xb2: {  	s3 =	rddreg [dreg:$0x2];
	[bflag:$0x3] =	sbarrier.arrive $0xFFFF;
	s2 =	simm.s32 @!p0 $0x1C03  }
0xb3: {  	[timem:s3], [sflag:s2] =	dma.local @!p0 [hbm:s0], s1  }
0xb4: {  	s0 =	simm.s32 @!p0 $0x3  }
0xb5: {  	_ =	swait.ge @!p0 [sflag:s0], s1  }
0xb6: {  	s1 =	ssub.s32 @!p0 $0x0, s1;
	[sflag:s0] =	ssyncset.done @!p0 $0x0  }
0xb7: {  	[sflag:s0] =	ssyncadd.s32 @!p0 s1  }
0xb8: {  	[bflag:$0x3] =	sbarrier.arrive $0xFFFF  }
0xb9: {  	_ =	shalt  }

</sc_bundles>
